<compile_context>
chip_gen: v7x
topology: tpu7x:2x2x1
jax: 0.10.2.dev20260603
libtpu: 0.0.44.dev20260713+nightly
codegen_flags: <defaults>
</compile_context>

<pallas_src>
import jax
import jax.numpy as jnp
from jax import lax
from jax.experimental import pallas as pl
from jax.experimental.pallas import tpu as pltpu
from jax.experimental.pallas import tpu_sc as plsc

_N_NODES = 100000
_N_EDGES = 6400000
_NUM_WORKERS = 32
_PER_TILE = _N_EDGES // _NUM_WORKERS
_CHUNK = 4000
_NCHUNKS = _PER_TILE // _CHUNK
_NPAIRS = _NCHUNKS // 2
_VPC = _CHUNK // 32
_MASK_HI = -65536
_UNROLL = 4


def _pack_table(p, s_half):
    pb = lax.bitcast_convert_type(p.astype(jnp.bfloat16), jnp.uint16)
    sb = lax.bitcast_convert_type(s_half.astype(jnp.bfloat16), jnp.uint16)
    w = (pb.astype(jnp.uint32) << 16) | sb.astype(jnp.uint32)
    return lax.bitcast_convert_type(w, jnp.int32)


def _overlap_vec(tab_ref, idx0_ref, idx1_ref, off):
    i0 = idx0_ref[pl.ds(off, 16)]
    i1 = idx1_ref[pl.ds(off, 16)]
    w0 = plsc.load_gather(tab_ref, [i0])
    w1 = plsc.load_gather(tab_ref, [i1])
    w0b = plsc.bitcast(w0, jnp.bfloat16)
    w1b = plsc.bitcast(w1, jnp.bfloat16)
    di = plsc.bitcast(jnp.abs(w0b - w1b), jnp.int32)
    si = plsc.bitcast(w0b + w1b, jnp.int32)
    dp = plsc.bitcast(di & _MASK_HI, jnp.float32)
    ss = plsc.bitcast(si << 16, jnp.float32)
    return jnp.maximum(ss - dp, 0.0)


def _sc_body(tx_hbm, ty_hbm, ei_hbm, part_hbm, spill_hbm,
             tab_v, i0a, i0b, i1a, i1b, ova, ovb, part_v,
             s0a, s0b, s1a, s1b, sva, svb):
    wid = lax.axis_index("c") * 16 + lax.axis_index("s")
    base_w = wid * _PER_TILE
    ibufs = ((i0a, i1a, s0a, s1a), (i0b, i1b, s0b, s1b))
    obufs = ((ova, sva), (ovb, svb))

    def start_in(c, b):
        i0, i1, se0, se1 = ibufs[b]
        base = base_w + c * _CHUNK
        pltpu.async_copy(ei_hbm.at[pl.ds(base, _CHUNK)], i0, se0)
        pltpu.async_copy(ei_hbm.at[pl.ds(_N_EDGES + base, _CHUNK)], i1, se1)

    def wait_in(b):
        i0, i1, se0, se1 = ibufs[b]
        pltpu.make_async_copy(ei_hbm.at[pl.ds(0, _CHUNK)], i0, se0).wait()
        pltpu.make_async_copy(ei_hbm.at[pl.ds(0, _CHUNK)], i1, se1).wait()

    def start_spill_out(c, b):
        ov, sv = obufs[b]
        base = wid * (_PER_TILE // 2) + c * (_CHUNK // 2)
        pltpu.async_copy(ov, spill_hbm.at[pl.ds(base, _CHUNK // 2)], sv)

    def start_spill_in(c, b):
        ov, sv = obufs[b]
        base = wid * (_PER_TILE // 2) + c * (_CHUNK // 2)
        pltpu.async_copy(spill_hbm.at[pl.ds(base, _CHUNK // 2)], ov, sv)

    def wait_spill(b):
        ov, sv = obufs[b]
        pltpu.make_async_copy(
            spill_hbm.at[pl.ds(0, _CHUNK // 2)], ov, sv).wait()

    pltpu.sync_copy(tx_hbm, tab_v)
    start_in(0, 0)

    def compute1(b):
        i0, i1, _, _ = ibufs[b]
        ov, _ = obufs[b]

        @plsc.parallel_loop(0, _CHUNK, step=32, unroll=_UNROLL)
        def _(off):
            ox0 = _overlap_vec(tab_v, i0, i1, off)
            ox1 = _overlap_vec(tab_v, i0, i1, off + 16)
            packed = plsc.pack(ox0, ox1, format=plsc.PackFormat.INTERLEAVED)
            off2 = pl.multiple_of(off // 2, 16)
            ov[pl.ds(off2, 16)] = plsc.bitcast(packed, jnp.int32)

    def pair1(p, carry):
        c0 = p * 2
        start_in(c0 + 1, 1)
        wait_in(0)

        @pl.when(p > 0)
        def _():
            wait_spill(0)

        compute1(0)
        start_spill_out(c0, 0)

        @pl.when(p < _NPAIRS - 1)
        def _():
            start_in(c0 + 2, 0)

        wait_in(1)

        @pl.when(p > 0)
        def _():
            wait_spill(1)

        compute1(1)
        start_spill_out(c0 + 1, 1)
        return carry

    lax.fori_loop(0, _NPAIRS, pair1, 0)
    wait_spill(0)
    wait_spill(1)

    pltpu.sync_copy(ty_hbm, tab_v)
    start_in(0, 0)
    start_spill_in(0, 0)

    def compute2(b, acc):
        i0, i1, _, _ = ibufs[b]
        ov, _ = obufs[b]

        def jb(off, accs):
            aa, ab = accs
            oy0 = _overlap_vec(tab_v, i0, i1, off)
            oy1 = _overlap_vec(tab_v, i0, i1, off + 16)
            off2 = pl.multiple_of(off // 2, 16)
            packed = plsc.bitcast(ov[pl.ds(off2, 16)], jnp.bfloat16)
            ox0, ox1 = plsc.unpack(packed, format=plsc.PackFormat.INTERLEAVED)
            aa = aa + oy0 * ox0
            ab = ab + oy1 * ox1
            return (aa, ab)

        return plsc.parallel_loop(0, _CHUNK, step=32, unroll=_UNROLL,
                                  carry=acc)(jb)

    def pair2(p, acc):
        c0 = p * 2
        start_in(c0 + 1, 1)
        start_spill_in(c0 + 1, 1)
        wait_in(0)
        wait_spill(0)
        acc = compute2(0, acc)

        @pl.when(p < _NPAIRS - 1)
        def _():
            start_in(c0 + 2, 0)
            start_spill_in(c0 + 2, 0)

        wait_in(1)
        wait_spill(1)
        acc = compute2(1, acc)
        return acc

    zero = jnp.zeros((16,), jnp.float32)
    acc_a, acc_b = lax.fori_loop(0, _NPAIRS, pair2, (zero, zero))
    part_v[...] = acc_a + acc_b
    pltpu.sync_copy(part_v, part_hbm.at[pl.ds(wid * 16, 16)])


@jax.jit
def _sc_call(tx, ty, ei):
    mesh = plsc.VectorSubcoreMesh(core_axis_name="c", subcore_axis_name="s")
    f = pl.kernel(
        _sc_body,
        mesh=mesh,
        out_type=(
            jax.ShapeDtypeStruct((_NUM_WORKERS * 16,), jnp.float32),
            jax.ShapeDtypeStruct((_N_EDGES // 2,), jnp.int32),
        ),
        scratch_types=[
            pltpu.VMEM((_N_NODES,), jnp.int32),
            pltpu.VMEM((_CHUNK,), jnp.int32),
            pltpu.VMEM((_CHUNK,), jnp.int32),
            pltpu.VMEM((_CHUNK,), jnp.int32),
            pltpu.VMEM((_CHUNK,), jnp.int32),
            pltpu.VMEM((_CHUNK // 2,), jnp.int32),
            pltpu.VMEM((_CHUNK // 2,), jnp.int32),
            pltpu.VMEM((16,), jnp.float32),
            pltpu.SemaphoreType.DMA,
            pltpu.SemaphoreType.DMA,
            pltpu.SemaphoreType.DMA,
            pltpu.SemaphoreType.DMA,
            pltpu.SemaphoreType.DMA,
            pltpu.SemaphoreType.DMA,
        ],
        compiler_params=pltpu.CompilerParams(needs_layout_passes=False),
    )
    return f(tx, ty, ei)


def kernel(node_pos, node_sizes, edge_index):
    tx = _pack_table(node_pos[:, 0], node_sizes[:, 0] * 0.5)
    ty = _pack_table(node_pos[:, 1], node_sizes[:, 1] * 0.5)
    part, _ = _sc_call(tx, ty, edge_index.reshape(-1))
    return jnp.sum(part) / jnp.float32(_N_EDGES)

# --- scband reference (transcript-rebuilt; emitter-appended) ---
"""Pipeline reference for scband-overlap-loss-74302934221180 (READ-ONLY COPY).

The authoritative reference and input builder live on the scoring server;
editing this copy changes nothing except your own understanding.
"""

import jax, jax.numpy as jnp
import numpy as np

N_NODES = 100000
N_EDGES = 6400000


def setup_inputs(seed: int = 0) -> dict:
    key = jax.random.key(seed)
    k1, k2, k3 = jax.random.split(key, 3)
    node_pos = jax.random.normal(k1, (N_NODES, 2), dtype=jnp.float32)
    node_sizes = jax.random.uniform(k2, (N_NODES, 2), dtype=jnp.float32)
    # int32 used for portability on CPU jax without x64; values identical in-range
    edge_index = jax.random.randint(k3, (2, N_EDGES), 0, N_NODES, dtype=jnp.int32)
    return {"node_pos": node_pos, "node_sizes": node_sizes, "edge_index": edge_index}


def reference(node_pos, node_sizes, edge_index):
    start = edge_index[0]
    end = edge_index[1]
    pos_start = jnp.take(node_pos, start, axis=0)
    pos_end = jnp.take(node_pos, end, axis=0)
    size_start = jnp.take(node_sizes, start, axis=0)
    size_end = jnp.take(node_sizes, end, axis=0)
    # distance computed in original module but unused in the loss value
    distance = jnp.linalg.norm(pos_start - pos_end, axis=1)
    overlap_x = jnp.maximum((size_start[:, 0] + size_end[:, 0]) / 2 - jnp.abs(pos_start[:, 0] - pos_end[:, 0]), 0.0)
    overlap_y = jnp.maximum((size_start[:, 1] + size_end[:, 1]) / 2 - jnp.abs(pos_start[:, 1] - pos_end[:, 1]), 0.0)
    overlap_area = overlap_x * overlap_y
    return jnp.mean(overlap_area)

if __name__ == "__main__":
    import jax
    _d = setup_inputs()
    print(jax.jit(kernel)(*tuple(_d.values())))

</pallas_src>

<mosaic_0001>
#map = affine_map<(d0, d1) -> (0)>
module attributes {stable_mosaic.version = 14 : i64} {
  func.func @_sc_body(%arg0: i32, %arg1: i32, %arg2: memref<100000xi32, #tpu.memory_space<hbm>>, %arg3: memref<100000xi32, #tpu.memory_space<hbm>>, %arg4: memref<12800000xi32, #tpu.memory_space<hbm>>, %arg5: memref<512xf32, #tpu.memory_space<hbm>>, %arg6: memref<3200000xi32, #tpu.memory_space<hbm>>, %arg7: memref<100000xi32, #tpu.memory_space<vmem>>, %arg8: memref<4000xi32, #tpu.memory_space<vmem>>, %arg9: memref<4000xi32, #tpu.memory_space<vmem>>, %arg10: memref<4000xi32, #tpu.memory_space<vmem>>, %arg11: memref<4000xi32, #tpu.memory_space<vmem>>, %arg12: memref<2000xi32, #tpu.memory_space<vmem>>, %arg13: memref<2000xi32, #tpu.memory_space<vmem>>, %arg14: memref<16xf32, #tpu.memory_space<vmem>>, %arg15: memref<!tpu.dma_semaphore, #tpu.memory_space<semaphore_mem>>, %arg16: memref<!tpu.dma_semaphore, #tpu.memory_space<semaphore_mem>>, %arg17: memref<!tpu.dma_semaphore, #tpu.memory_space<semaphore_mem>>, %arg18: memref<!tpu.dma_semaphore, #tpu.memory_space<semaphore_mem>>, %arg19: memref<!tpu.dma_semaphore, #tpu.memory_space<semaphore_mem>>, %arg20: memref<!tpu.dma_semaphore, #tpu.memory_space<semaphore_mem>>) attributes {dimension_semantics = [#tpu.dimension_semantics<core_parallel>, #tpu.dimension_semantics<subcore_parallel>], iteration_bounds = array<i64: 2, 16>, scalar_prefetch = 0 : i64, scratch_operands = 14 : i64, tpu.core_type = #tpu.core_type<sc_vector_subcore>, window_params = [{transform_indices = #map}, {transform_indices = #map}, {transform_indices = #map}, {transform_indices = #map}, {transform_indices = #map}]} {
    %mul3A = arith.constant 16 : i32
    %mul3A_0 = arith.muli %arg0, %mul3A : i32
    %add3A = arith.addi %mul3A_0, %arg1 : i32
    %mul3A_1 = arith.constant 200000 : i32
    %mul3A_2 = arith.muli %add3A, %mul3A_1 : i32
    "tpu.region"() ({
      %run_scoped3A = tpu.sem_alloc : memref<!tpu.dma_semaphore, #tpu.memory_space<semaphore_mem>>
      tpu.enqueue_dma source(%arg2 : memref<100000xi32, #tpu.memory_space<hbm>>) target(%arg7 : memref<100000xi32, #tpu.memory_space<vmem>>) target_semaphore(%run_scoped3A : memref<!tpu.dma_semaphore, #tpu.memory_space<semaphore_mem>>)
      tpu.wait_dma2 semaphore(%run_scoped3A : memref<!tpu.dma_semaphore, #tpu.memory_space<semaphore_mem>>) src(%arg2 : memref<100000xi32, #tpu.memory_space<hbm>>) dst(%arg7 : memref<100000xi32, #tpu.memory_space<vmem>>)
      tpu.yield
    }) : () -> ()
    %add3A_3 = arith.constant 0 : i32
    %add3A_4 = arith.addi %mul3A_2, %add3A_3 : i32
    %dma_start3A = tpu.memref_slice %arg4[%add3A_4] : memref<12800000xi32, #tpu.memory_space<hbm>> -> memref<4000xi32, #tpu.memory_space<hbm>>
    %dma_start3A_5 = tpu.memref_slice %arg4[%add3A_4] : memref<12800000xi32, #tpu.memory_space<hbm>> -> memref<4000xi32, #tpu.memory_space<hbm>>
    tpu.enqueue_dma source(%dma_start3A_5 : memref<4000xi32, #tpu.memory_space<hbm>>) target(%arg8 : memref<4000xi32, #tpu.memory_space<vmem>>) target_semaphore(%arg15 : memref<!tpu.dma_semaphore, #tpu.memory_space<semaphore_mem>>)
    %add3A_6 = arith.constant 6400000 : i32
    %add3A_7 = arith.addi %add3A_6, %add3A_4 : i32
    %dma_start3A_8 = tpu.memref_slice %arg4[%add3A_7] : memref<12800000xi32, #tpu.memory_space<hbm>> -> memref<4000xi32, #tpu.memory_space<hbm>>
    %dma_start3A_9 = tpu.memref_slice %arg4[%add3A_7] : memref<12800000xi32, #tpu.memory_space<hbm>> -> memref<4000xi32, #tpu.memory_space<hbm>>
    tpu.enqueue_dma source(%dma_start3A_9 : memref<4000xi32, #tpu.memory_space<hbm>>) target(%arg10 : memref<4000xi32, #tpu.memory_space<vmem>>) target_semaphore(%arg17 : memref<!tpu.dma_semaphore, #tpu.memory_space<semaphore_mem>>)
    %scan3A = arith.constant 0 : i32
    %scan3A_10 = arith.constant 0 : i32
    %scan3A_11 = arith.constant 25 : i32
    %scan3A_12 = arith.addi %scan3A_10, %scan3A_11 : i32
    %scan3A_13 = arith.constant 1 : i32
    scf.for %scan3A_47 = %scan3A_10 to %scan3A_12 step %scan3A_13  : i32 {
      %mul3A_48 = arith.constant 2 : i32
      %mul3A_49 = arith.muli %scan3A_47, %mul3A_48 : i32
      %add3A_50 = arith.constant 1 : i32
      %add3A_51 = arith.addi %mul3A_49, %add3A_50 : i32
      %mul3A_52 = arith.constant 4000 : i32
      %mul3A_53 = arith.muli %add3A_51, %mul3A_52 : i32
      %add3A_54 = arith.addi %mul3A_2, %mul3A_53 : i32
      %dma_start3A_55 = tpu.memref_slice %arg4[%add3A_54] : memref<12800000xi32, #tpu.memory_space<hbm>> -> memref<4000xi32, #tpu.memory_space<hbm>>
      %dma_start3A_56 = tpu.memref_slice %arg4[%add3A_54] : memref<12800000xi32, #tpu.memory_space<hbm>> -> memref<4000xi32, #tpu.memory_space<hbm>>
      tpu.enqueue_dma source(%dma_start3A_56 : memref<4000xi32, #tpu.memory_space<hbm>>) target(%arg9 : memref<4000xi32, #tpu.memory_space<vmem>>) target_semaphore(%arg16 : memref<!tpu.dma_semaphore, #tpu.memory_space<semaphore_mem>>)
      %add3A_57 = arith.constant 6400000 : i32
      %add3A_58 = arith.addi %add3A_57, %add3A_54 : i32
      %dma_start3A_59 = tpu.memref_slice %arg4[%add3A_58] : memref<12800000xi32, #tpu.memory_space<hbm>> -> memref<4000xi32, #tpu.memory_space<hbm>>
      %dma_start3A_60 = tpu.memref_slice %arg4[%add3A_58] : memref<12800000xi32, #tpu.memory_space<hbm>> -> memref<4000xi32, #tpu.memory_space<hbm>>
      tpu.enqueue_dma source(%dma_start3A_60 : memref<4000xi32, #tpu.memory_space<hbm>>) target(%arg11 : memref<4000xi32, #tpu.memory_space<vmem>>) target_semaphore(%arg18 : memref<!tpu.dma_semaphore, #tpu.memory_space<semaphore_mem>>)
      %dma_wait3A_61 = arith.constant 0 : i32
      %dma_wait3A_62 = tpu.memref_slice %arg4[%dma_wait3A_61] : memref<12800000xi32, #tpu.memory_space<hbm>> -> memref<4000xi32, #tpu.memory_space<hbm>>
      %dma_wait3A_63 = arith.constant 0 : i32
      %dma_wait3A_64 = tpu.memref_slice %arg4[%dma_wait3A_63] : memref<12800000xi32, #tpu.memory_space<hbm>> -> memref<4000xi32, #tpu.memory_space<hbm>>
      tpu.wait_dma2 semaphore(%arg15 : memref<!tpu.dma_semaphore, #tpu.memory_space<semaphore_mem>>) src(%dma_wait3A_64 : memref<4000xi32, #tpu.memory_space<hbm>>) dst(%arg8 : memref<4000xi32, #tpu.memory_space<vmem>>)
      %dma_wait3A_65 = arith.constant 0 : i32
      %dma_wait3A_66 = tpu.memref_slice %arg4[%dma_wait3A_65] : memref<12800000xi32, #tpu.memory_space<hbm>> -> memref<4000xi32, #tpu.memory_space<hbm>>
      %dma_wait3A_67 = arith.constant 0 : i32
      %dma_wait3A_68 = tpu.memref_slice %arg4[%dma_wait3A_67] : memref<12800000xi32, #tpu.memory_space<hbm>> -> memref<4000xi32, #tpu.memory_space<hbm>>
      tpu.wait_dma2 semaphore(%arg17 : memref<!tpu.dma_semaphore, #tpu.memory_space<semaphore_mem>>) src(%dma_wait3A_68 : memref<4000xi32, #tpu.memory_space<hbm>>) dst(%arg10 : memref<4000xi32, #tpu.memory_space<vmem>>)
      %gt3A = arith.constant 0 : i32
      %gt3A_69 = arith.cmpi sgt, %scan3A_47, %gt3A : i32
      %convert_element_type3A = arith.extui %gt3A_69 : i1 to i32
      %cond3A = arith.constant 0 : i32
      %cond3A_70 = arith.cmpi ne, %convert_element_type3A, %cond3A : i32
      scf.if %cond3A_70 {
        %dma_wait3A_109 = arith.constant 0 : i32
        %dma_wait3A_110 = tpu.memref_slice %arg6[%dma_wait3A_109] : memref<3200000xi32, #tpu.memory_space<hbm>> -> memref<2000xi32, #tpu.memory_space<hbm>>
        %dma_wait3A_111 = arith.constant 0 : i32
        %dma_wait3A_112 = tpu.memref_slice %arg6[%dma_wait3A_111] : memref<3200000xi32, #tpu.memory_space<hbm>> -> memref<2000xi32, #tpu.memory_space<hbm>>
        tpu.wait_dma2 semaphore(%arg19 : memref<!tpu.dma_semaphore, #tpu.memory_space<semaphore_mem>>) src(%dma_wait3A_112 : memref<2000xi32, #tpu.memory_space<hbm>>) dst(%arg12 : memref<2000xi32, #tpu.memory_space<vmem>>)
      } else {
      }
      %parallel_loop3A = arith.constant 0 : i32
      %parallel_loop3A_71 = arith.constant 4000 : i32
      %parallel_loop3A_72 = arith.constant 32 : i32
      scf.for %parallel_loop3A_109 = %parallel_loop3A to %parallel_loop3A_71 step %parallel_loop3A_72  : i32 {
        %parallel_loop3A_110 = arith.index_cast %parallel_loop3A_109 : i32 to index
        %parallel_loop3A_111 = tpu.vector_load %arg8[%parallel_loop3A_110] {strides = array<i32>} : memref<4000xi32, #tpu.memory_space<vmem>>, vector<16xi32>,
        %parallel_loop3A_112 = arith.index_cast %parallel_loop3A_109 : i32 to index
        %parallel_loop3A_113 = tpu.vector_load %arg10[%parallel_loop3A_112] {strides = array<i32>} : memref<4000xi32, #tpu.memory_space<vmem>>, vector<16xi32>,
        %parallel_loop3A_114 = tpu.vector_load_idx %arg7[%parallel_loop3A_111] : memref<100000xi32, #tpu.memory_space<vmem>>[vector<16xi32>], vector<16xi32>,
        %parallel_loop3A_115 = tpu.vector_load_idx %arg7[%parallel_loop3A_113] : memref<100000xi32, #tpu.memory_space<vmem>>[vector<16xi32>], vector<16xi32>,
        %parallel_loop3A_116 = vector.bitcast %parallel_loop3A_114 : vector<16xi32> to vector<32xbf16>
        %parallel_loop3A_117 = vector.bitcast %parallel_loop3A_115 : vector<16xi32> to vector<32xbf16>
        %parallel_loop3A_118 = arith.subf %parallel_loop3A_116, %parallel_loop3A_117 : vector<32xbf16>
        %parallel_loop3A_119 = math.absf %parallel_loop3A_118 : vector<32xbf16>
        %parallel_loop3A_120 = vector.bitcast %parallel_loop3A_119 : vector<32xbf16> to vector<16xi32>
        %parallel_loop3A_121 = arith.addf %parallel_loop3A_116, %parallel_loop3A_117 : vector<32xbf16>
        %parallel_loop3A_122 = vector.bitcast %parallel_loop3A_121 : vector<32xbf16> to vector<16xi32>
        %parallel_loop3A_123 = arith.constant -65536 : i32
        %parallel_loop3A_124 = vector.broadcast %parallel_loop3A_123 : i32 to vector<16xi32>
        %parallel_loop3A_125 = arith.andi %parallel_loop3A_120, %parallel_loop3A_124 : vector<16xi32>
        %parallel_loop3A_126 = vector.bitcast %parallel_loop3A_125 : vector<16xi32> to vector<16xf32>
        %parallel_loop3A_127 = arith.constant 16 : i32
        %parallel_loop3A_128 = vector.broadcast %parallel_loop3A_127 : i32 to vector<16xi32>
        %parallel_loop3A_129 = arith.shli %parallel_loop3A_122, %parallel_loop3A_128 : vector<16xi32>
        %parallel_loop3A_130 = vector.bitcast %parallel_loop3A_129 : vector<16xi32> to vector<16xf32>
        %parallel_loop3A_131 = arith.subf %parallel_loop3A_130, %parallel_loop3A_126 : vector<16xf32>
        %parallel_loop3A_132 = arith.constant 0.000000e+00 : f32
        %parallel_loop3A_133 = vector.broadcast %parallel_loop3A_132 : f32 to vector<16xf32>
        %parallel_loop3A_134 = arith.maximumf %parallel_loop3A_131, %parallel_loop3A_133 : vector<16xf32>
        %parallel_loop3A_135 = arith.constant 16 : i32
        %parallel_loop3A_136 = arith.addi %parallel_loop3A_109, %parallel_loop3A_135 : i32
        %parallel_loop3A_137 = arith.index_cast %parallel_loop3A_136 : i32 to index
        %parallel_loop3A_138 = tpu.vector_load %arg8[%parallel_loop3A_137] {strides = array<i32>} : memref<4000xi32, #tpu.memory_space<vmem>>, vector<16xi32>,
        %parallel_loop3A_139 = arith.index_cast %parallel_loop3A_136 : i32 to index
        %parallel_loop3A_140 = tpu.vector_load %arg10[%parallel_loop3A_139] {strides = array<i32>} : memref<4000xi32, #tpu.memory_space<vmem>>, vector<16xi32>,
        %parallel_loop3A_141 = tpu.vector_load_idx %arg7[%parallel_loop3A_138] : memref<100000xi32, #tpu.memory_space<vmem>>[vector<16xi32>], vector<16xi32>,
        %parallel_loop3A_142 = tpu.vector_load_idx %arg7[%parallel_loop3A_140] : memref<100000xi32, #tpu.memory_space<vmem>>[vector<16xi32>], vector<16xi32>,
        %parallel_loop3A_143 = vector.bitcast %parallel_loop3A_141 : vector<16xi32> to vector<32xbf16>
        %parallel_loop3A_144 = vector.bitcast %parallel_loop3A_142 : vector<16xi32> to vector<32xbf16>
        %parallel_loop3A_145 = arith.subf %parallel_loop3A_143, %parallel_loop3A_144 : vector<32xbf16>
        %parallel_loop3A_146 = math.absf %parallel_loop3A_145 : vector<32xbf16>
        %parallel_loop3A_147 = vector.bitcast %parallel_loop3A_146 : vector<32xbf16> to vector<16xi32>
        %parallel_loop3A_148 = arith.addf %parallel_loop3A_143, %parallel_loop3A_144 : vector<32xbf16>
        %parallel_loop3A_149 = vector.bitcast %parallel_loop3A_148 : vector<32xbf16> to vector<16xi32>
        %parallel_loop3A_150 = arith.constant -65536 : i32
        %parallel_loop3A_151 = vector.broadcast %parallel_loop3A_150 : i32 to vector<16xi32>
        %parallel_loop3A_152 = arith.andi %parallel_loop3A_147, %parallel_loop3A_151 : vector<16xi32>
        %parallel_loop3A_153 = vector.bitcast %parallel_loop3A_152 : vector<16xi32> to vector<16xf32>
        %parallel_loop3A_154 = arith.constant 16 : i32
        %parallel_loop3A_155 = vector.broadcast %parallel_loop3A_154 : i32 to vector<16xi32>
        %parallel_loop3A_156 = arith.shli %parallel_loop3A_149, %parallel_loop3A_155 : vector<16xi32>
        %parallel_loop3A_157 = vector.bitcast %parallel_loop3A_156 : vector<16xi32> to vector<16xf32>
        %parallel_loop3A_158 = arith.subf %parallel_loop3A_157, %parallel_loop3A_153 : vector<16xf32>
        %parallel_loop3A_159 = arith.constant 0.000000e+00 : f32
        %parallel_loop3A_160 = vector.broadcast %parallel_loop3A_159 : f32 to vector<16xf32>
        %parallel_loop3A_161 = arith.maximumf %parallel_loop3A_158, %parallel_loop3A_160 : vector<16xf32>
        %parallel_loop3A_162 = tpu.pack_subelements %parallel_loop3A_134, %parallel_loop3A_161 {pack_format = #tpu.pack_format<interleaved>, positions = array<i32: 0, 1>} : vector<16xf32>, vector<16xf32> -> vector<32xbf16>
        %parallel_loop3A_163 = arith.constant 2 : i32
        %parallel_loop3A_164 = arith.divsi %parallel_loop3A_109, %parallel_loop3A_163 : i32
        %parallel_loop3A_165 = arith.constant 0 : i32
        %parallel_loop3A_166 = arith.cmpi sgt, %parallel_loop3A_109, %parallel_loop3A_165 : i32
        %parallel_loop3A_167 = arith.extui %parallel_loop3A_166 : i1 to i32
        %parallel_loop3A_168 = arith.constant 0 : i32
        %parallel_loop3A_169 = arith.cmpi slt, %parallel_loop3A_109, %parallel_loop3A_168 : i32
        %parallel_loop3A_170 = arith.extui %parallel_loop3A_169 : i1 to i32
        %parallel_loop3A_171 = arith.subi %parallel_loop3A_167, %parallel_loop3A_170 : i32
        %parallel_loop3A_172 = arith.constant 0 : i32
        %parallel_loop3A_173 = arith.cmpi sgt, %parallel_loop3A_163, %parallel_loop3A_172 : i32
        %parallel_loop3A_174 = arith.extui %parallel_loop3A_173 : i1 to i32
        %parallel_loop3A_175 = arith.constant 0 : i32
        %parallel_loop3A_176 = arith.cmpi slt, %parallel_loop3A_163, %parallel_loop3A_175 : i32
        %parallel_loop3A_177 = arith.extui %parallel_loop3A_176 : i1 to i32
        %parallel_loop3A_178 = arith.subi %parallel_loop3A_174, %parallel_loop3A_177 : i32
        %parallel_loop3A_179 = arith.cmpi ne, %parallel_loop3A_171, %parallel_loop3A_178 : i32
        %parallel_loop3A_180 = arith.remsi %parallel_loop3A_109, %parallel_loop3A_163 : i32
        %parallel_loop3A_181 = arith.constant 0 : i32
        %parallel_loop3A_182 = arith.cmpi ne, %parallel_loop3A_180, %parallel_loop3A_181 : i32
        %parallel_loop3A_183 = arith.andi %parallel_loop3A_179, %parallel_loop3A_182 : i1
        %parallel_loop3A_184 = arith.constant 1 : i32
        %parallel_loop3A_185 = arith.subi %parallel_loop3A_164, %parallel_loop3A_184 : i32
        %parallel_loop3A_186 = arith.select %parallel_loop3A_183, %parallel_loop3A_185, %parallel_loop3A_164 : i32
        %parallel_loop3A_187 = tpu.assume_multiple %parallel_loop3A_186, 16 : i32
        %parallel_loop3A_188 = vector.bitcast %parallel_loop3A_162 : vector<32xbf16> to vector<16xi32>
        %parallel_loop3A_189 = arith.index_cast %parallel_loop3A_187 : i32 to index
        %parallel_loop3A_190 = tpu.vector_load %arg12[%parallel_loop3A_189] {strides = array<i32>} : memref<2000xi32, #tpu.memory_space<vmem>>, vector<16xi32>,
        tpu.vector_store %arg12[%parallel_loop3A_189], %parallel_loop3A_188 {strides = array<i32>} : memref<2000xi32, #tpu.memory_space<vmem>>, vector<16xi32>,
      } {sc.loop_unroll_factor = 4 : i64, sc.parallel_access}
      %mul3A_73 = arith.constant 100000 : i32
      %mul3A_74 = arith.muli %add3A, %mul3A_73 : i32
      %mul3A_75 = arith.constant 2000 : i32
      %mul3A_76 = arith.muli %mul3A_49, %mul3A_75 : i32
      %add3A_77 = arith.addi %mul3A_74, %mul3A_76 : i32
      %dma_start3A_78 = tpu.memref_slice %arg6[%add3A_77] : memref<3200000xi32, #tpu.memory_space<hbm>> -> memref<2000xi32, #tpu.memory_space<hbm>>
      %dma_start3A_79 = tpu.memref_slice %arg6[%add3A_77] : memref<3200000xi32, #tpu.memory_space<hbm>> -> memref<2000xi32, #tpu.memory_space<hbm>>
      tpu.enqueue_dma source(%arg12 : memref<2000xi32, #tpu.memory_space<vmem>>) target(%dma_start3A_79 : memref<2000xi32, #tpu.memory_space<hbm>>) target_semaphore(%arg19 : memref<!tpu.dma_semaphore, #tpu.memory_space<semaphore_mem>>)
      %lt3A = arith.constant 24 : i32
      %lt3A_80 = arith.cmpi slt, %scan3A_47, %lt3A : i32
      %convert_element_type3A_81 = arith.extui %lt3A_80 : i1 to i32
      %cond3A_82 = arith.constant 0 : i32
      %cond3A_83 = arith.cmpi ne, %convert_element_type3A_81, %cond3A_82 : i32
      scf.if %cond3A_83 {
        %add3A_109 = arith.constant 2 : i32
        %add3A_110 = arith.addi %mul3A_49, %add3A_109 : i32
        %mul3A_111 = arith.constant 4000 : i32
        %mul3A_112 = arith.muli %add3A_110, %mul3A_111 : i32
        %add3A_113 = arith.addi %mul3A_2, %mul3A_112 : i32
        %dma_start3A_114 = tpu.memref_slice %arg4[%add3A_113] : memref<12800000xi32, #tpu.memory_space<hbm>> -> memref<4000xi32, #tpu.memory_space<hbm>>
        %dma_start3A_115 = tpu.memref_slice %arg4[%add3A_113] : memref<12800000xi32, #tpu.memory_space<hbm>> -> memref<4000xi32, #tpu.memory_space<hbm>>
        tpu.enqueue_dma source(%dma_start3A_115 : memref<4000xi32, #tpu.memory_space<hbm>>) target(%arg8 : memref<4000xi32, #tpu.memory_space<vmem>>) target_semaphore(%arg15 : memref<!tpu.dma_semaphore, #tpu.memory_space<semaphore_mem>>)
        %add3A_116 = arith.constant 6400000 : i32
        %add3A_117 = arith.addi %add3A_116, %add3A_113 : i32
        %dma_start3A_118 = tpu.memref_slice %arg4[%add3A_117] : memref<12800000xi32, #tpu.memory_space<hbm>> -> memref<4000xi32, #tpu.memory_space<hbm>>
        %dma_start3A_119 = tpu.memref_slice %arg4[%add3A_117] : memref<12800000xi32, #tpu.memory_space<hbm>> -> memref<4000xi32, #tpu.memory_space<hbm>>
        tpu.enqueue_dma source(%dma_start3A_119 : memref<4000xi32, #tpu.memory_space<hbm>>) target(%arg10 : memref<4000xi32, #tpu.memory_space<vmem>>) target_semaphore(%arg17 : memref<!tpu.dma_semaphore, #tpu.memory_space<semaphore_mem>>)
      } else {
      }
      %dma_wait3A_84 = arith.constant 0 : i32
      %dma_wait3A_85 = tpu.memref_slice %arg4[%dma_wait3A_84] : memref<12800000xi32, #tpu.memory_space<hbm>> -> memref<4000xi32, #tpu.memory_space<hbm>>
      %dma_wait3A_86 = arith.constant 0 : i32
      %dma_wait3A_87 = tpu.memref_slice %arg4[%dma_wait3A_86] : memref<12800000xi32, #tpu.memory_space<hbm>> -> memref<4000xi32, #tpu.memory_space<hbm>>
      tpu.wait_dma2 semaphore(%arg16 : memref<!tpu.dma_semaphore, #tpu.memory_space<semaphore_mem>>) src(%dma_wait3A_87 : memref<4000xi32, #tpu.memory_space<hbm>>) dst(%arg9 : memref<4000xi32, #tpu.memory_space<vmem>>)
      %dma_wait3A_88 = arith.constant 0 : i32
      %dma_wait3A_89 = tpu.memref_slice %arg4[%dma_wait3A_88] : memref<12800000xi32, #tpu.memory_space<hbm>> -> memref<4000xi32, #tpu.memory_space<hbm>>
      %dma_wait3A_90 = arith.constant 0 : i32
      %dma_wait3A_91 = tpu.memref_slice %arg4[%dma_wait3A_90] : memref<12800000xi32, #tpu.memory_space<hbm>> -> memref<4000xi32, #tpu.memory_space<hbm>>
      tpu.wait_dma2 semaphore(%arg18 : memref<!tpu.dma_semaphore, #tpu.memory_space<semaphore_mem>>) src(%dma_wait3A_91 : memref<4000xi32, #tpu.memory_space<hbm>>) dst(%arg11 : memref<4000xi32, #tpu.memory_space<vmem>>)
      %gt3A_92 = arith.constant 0 : i32
      %gt3A_93 = arith.cmpi sgt, %scan3A_47, %gt3A_92 : i32
      %convert_element_type3A_94 = arith.extui %gt3A_93 : i1 to i32
      %cond3A_95 = arith.constant 0 : i32
      %cond3A_96 = arith.cmpi ne, %convert_element_type3A_94, %cond3A_95 : i32
      scf.if %cond3A_96 {
        %dma_wait3A_109 = arith.constant 0 : i32
        %dma_wait3A_110 = tpu.memref_slice %arg6[%dma_wait3A_109] : memref<3200000xi32, #tpu.memory_space<hbm>> -> memref<2000xi32, #tpu.memory_space<hbm>>
        %dma_wait3A_111 = arith.constant 0 : i32
        %dma_wait3A_112 = tpu.memref_slice %arg6[%dma_wait3A_111] : memref<3200000xi32, #tpu.memory_space<hbm>> -> memref<2000xi32, #tpu.memory_space<hbm>>
        tpu.wait_dma2 semaphore(%arg20 : memref<!tpu.dma_semaphore, #tpu.memory_space<semaphore_mem>>) src(%dma_wait3A_112 : memref<2000xi32, #tpu.memory_space<hbm>>) dst(%arg13 : memref<2000xi32, #tpu.memory_space<vmem>>)
      } else {
      }
      %parallel_loop3A_97 = arith.constant 0 : i32
      %parallel_loop3A_98 = arith.constant 4000 : i32
      %parallel_loop3A_99 = arith.constant 32 : i32
      scf.for %parallel_loop3A_109 = %parallel_loop3A_97 to %parallel_loop3A_98 step %parallel_loop3A_99  : i32 {
        %parallel_loop3A_110 = arith.index_cast %parallel_loop3A_109 : i32 to index
        %parallel_loop3A_111 = tpu.vector_load %arg9[%parallel_loop3A_110] {strides = array<i32>} : memref<4000xi32, #tpu.memory_space<vmem>>, vector<16xi32>,
        %parallel_loop3A_112 = arith.index_cast %parallel_loop3A_109 : i32 to index
        %parallel_loop3A_113 = tpu.vector_load %arg11[%parallel_loop3A_112] {strides = array<i32>} : memref<4000xi32, #tpu.memory_space<vmem>>, vector<16xi32>,
        %parallel_loop3A_114 = tpu.vector_load_idx %arg7[%parallel_loop3A_111] : memref<100000xi32, #tpu.memory_space<vmem>>[vector<16xi32>], vector<16xi32>,
        %parallel_loop3A_115 = tpu.vector_load_idx %arg7[%parallel_loop3A_113] : memref<100000xi32, #tpu.memory_space<vmem>>[vector<16xi32>], vector<16xi32>,
        %parallel_loop3A_116 = vector.bitcast %parallel_loop3A_114 : vector<16xi32> to vector<32xbf16>
        %parallel_loop3A_117 = vector.bitcast %parallel_loop3A_115 : vector<16xi32> to vector<32xbf16>
        %parallel_loop3A_118 = arith.subf %parallel_loop3A_116, %parallel_loop3A_117 : vector<32xbf16>
        %parallel_loop3A_119 = math.absf %parallel_loop3A_118 : vector<32xbf16>
        %parallel_loop3A_120 = vector.bitcast %parallel_loop3A_119 : vector<32xbf16> to vector<16xi32>
        %parallel_loop3A_121 = arith.addf %parallel_loop3A_116, %parallel_loop3A_117 : vector<32xbf16>
        %parallel_loop3A_122 = vector.bitcast %parallel_loop3A_121 : vector<32xbf16> to vector<16xi32>
        %parallel_loop3A_123 = arith.constant -65536 : i32
        %parallel_loop3A_124 = vector.broadcast %parallel_loop3A_123 : i32 to vector<16xi32>
        %parallel_loop3A_125 = arith.andi %parallel_loop3A_120, %parallel_loop3A_124 : vector<16xi32>
        %parallel_loop3A_126 = vector.bitcast %parallel_loop3A_125 : vector<16xi32> to vector<16xf32>
        %parallel_loop3A_127 = arith.constant 16 : i32
        %parallel_loop3A_128 = vector.broadcast %parallel_loop3A_127 : i32 to vector<16xi32>
        %parallel_loop3A_129 = arith.shli %parallel_loop3A_122, %parallel_loop3A_128 : vector<16xi32>
        %parallel_loop3A_130 = vector.bitcast %parallel_loop3A_129 : vector<16xi32> to vector<16xf32>
        %parallel_loop3A_131 = arith.subf %parallel_loop3A_130, %parallel_loop3A_126 : vector<16xf32>
        %parallel_loop3A_132 = arith.constant 0.000000e+00 : f32
        %parallel_loop3A_133 = vector.broadcast %parallel_loop3A_132 : f32 to vector<16xf32>
        %parallel_loop3A_134 = arith.maximumf %parallel_loop3A_131, %parallel_loop3A_133 : vector<16xf32>
        %parallel_loop3A_135 = arith.constant 16 : i32
        %parallel_loop3A_136 = arith.addi %parallel_loop3A_109, %parallel_loop3A_135 : i32
        %parallel_loop3A_137 = arith.index_cast %parallel_loop3A_136 : i32 to index
        %parallel_loop3A_138 = tpu.vector_load %arg9[%parallel_loop3A_137] {strides = array<i32>} : memref<4000xi32, #tpu.memory_space<vmem>>, vector<16xi32>,
        %parallel_loop3A_139 = arith.index_cast %parallel_loop3A_136 : i32 to index
        %parallel_loop3A_140 = tpu.vector_load %arg11[%parallel_loop3A_139] {strides = array<i32>} : memref<4000xi32, #tpu.memory_space<vmem>>, vector<16xi32>,
        %parallel_loop3A_141 = tpu.vector_load_idx %arg7[%parallel_loop3A_138] : memref<100000xi32, #tpu.memory_space<vmem>>[vector<16xi32>], vector<16xi32>,
        %parallel_loop3A_142 = tpu.vector_load_idx %arg7[%parallel_loop3A_140] : memref<100000xi32, #tpu.memory_space<vmem>>[vector<16xi32>], vector<16xi32>,
        %parallel_loop3A_143 = vector.bitcast %parallel_loop3A_141 : vector<16xi32> to vector<32xbf16>
        %parallel_loop3A_144 = vector.bitcast %parallel_loop3A_142 : vector<16xi32> to vector<32xbf16>
        %parallel_loop3A_145 = arith.subf %parallel_loop3A_143, %parallel_loop3A_144 : vector<32xbf16>
        %parallel_loop3A_146 = math.absf %parallel_loop3A_145 : vector<32xbf16>
        %parallel_loop3A_147 = vector.bitcast %parallel_loop3A_146 : vector<32xbf16> to vector<16xi32>
        %parallel_loop3A_148 = arith.addf %parallel_loop3A_143, %parallel_loop3A_144 : vector<32xbf16>
        %parallel_loop3A_149 = vector.bitcast %parallel_loop3A_148 : vector<32xbf16> to vector<16xi32>
        %parallel_loop3A_150 = arith.constant -65536 : i32
        %parallel_loop3A_151 = vector.broadcast %parallel_loop3A_150 : i32 to vector<16xi32>
        %parallel_loop3A_152 = arith.andi %parallel_loop3A_147, %parallel_loop3A_151 : vector<16xi32>
        %parallel_loop3A_153 = vector.bitcast %parallel_loop3A_152 : vector<16xi32> to vector<16xf32>
        %parallel_loop3A_154 = arith.constant 16 : i32
        %parallel_loop3A_155 = vector.broadcast %parallel_loop3A_154 : i32 to vector<16xi32>
        %parallel_loop3A_156 = arith.shli %parallel_loop3A_149, %parallel_loop3A_155 : vector<16xi32>
        %parallel_loop3A_157 = vector.bitcast %parallel_loop3A_156 : vector<16xi32> to vector<16xf32>
        %parallel_loop3A_158 = arith.subf %parallel_loop3A_157, %parallel_loop3A_153 : vector<16xf32>
        %parallel_loop3A_159 = arith.constant 0.000000e+00 : f32
        %parallel_loop3A_160 = vector.broadcast %parallel_loop3A_159 : f32 to vector<16xf32>
        %parallel_loop3A_161 = arith.maximumf %parallel_loop3A_158, %parallel_loop3A_160 : vector<16xf32>
        %parallel_loop3A_162 = tpu.pack_subelements %parallel_loop3A_134, %parallel_loop3A_161 {pack_format = #tpu.pack_format<interleaved>, positions = array<i32: 0, 1>} : vector<16xf32>, vector<16xf32> -> vector<32xbf16>
        %parallel_loop3A_163 = arith.constant 2 : i32
        %parallel_loop3A_164 = arith.divsi %parallel_loop3A_109, %parallel_loop3A_163 : i32
        %parallel_loop3A_165 = arith.constant 0 : i32
        %parallel_loop3A_166 = arith.cmpi sgt, %parallel_loop3A_109, %parallel_loop3A_165 : i32
        %parallel_loop3A_167 = arith.extui %parallel_loop3A_166 : i1 to i32
        %parallel_loop3A_168 = arith.constant 0 : i32
        %parallel_loop3A_169 = arith.cmpi slt, %parallel_loop3A_109, %parallel_loop3A_168 : i32
        %parallel_loop3A_170 = arith.extui %parallel_loop3A_169 : i1 to i32
        %parallel_loop3A_171 = arith.subi %parallel_loop3A_167, %parallel_loop3A_170 : i32
        %parallel_loop3A_172 = arith.constant 0 : i32
        %parallel_loop3A_173 = arith.cmpi sgt, %parallel_loop3A_163, %parallel_loop3A_172 : i32
        %parallel_loop3A_174 = arith.extui %parallel_loop3A_173 : i1 to i32
        %parallel_loop3A_175 = arith.constant 0 : i32
        %parallel_loop3A_176 = arith.cmpi slt, %parallel_loop3A_163, %parallel_loop3A_175 : i32
        %parallel_loop3A_177 = arith.extui %parallel_loop3A_176 : i1 to i32
        %parallel_loop3A_178 = arith.subi %parallel_loop3A_174, %parallel_loop3A_177 : i32
        %parallel_loop3A_179 = arith.cmpi ne, %parallel_loop3A_171, %parallel_loop3A_178 : i32
        %parallel_loop3A_180 = arith.remsi %parallel_loop3A_109, %parallel_loop3A_163 : i32
        %parallel_loop3A_181 = arith.constant 0 : i32
        %parallel_loop3A_182 = arith.cmpi ne, %parallel_loop3A_180, %parallel_loop3A_181 : i32
        %parallel_loop3A_183 = arith.andi %parallel_loop3A_179, %parallel_loop3A_182 : i1
        %parallel_loop3A_184 = arith.constant 1 : i32
        %parallel_loop3A_185 = arith.subi %parallel_loop3A_164, %parallel_loop3A_184 : i32
        %parallel_loop3A_186 = arith.select %parallel_loop3A_183, %parallel_loop3A_185, %parallel_loop3A_164 : i32
        %parallel_loop3A_187 = tpu.assume_multiple %parallel_loop3A_186, 16 : i32
        %parallel_loop3A_188 = vector.bitcast %parallel_loop3A_162 : vector<32xbf16> to vector<16xi32>
        %parallel_loop3A_189 = arith.index_cast %parallel_loop3A_187 : i32 to index
        %parallel_loop3A_190 = tpu.vector_load %arg13[%parallel_loop3A_189] {strides = array<i32>} : memref<2000xi32, #tpu.memory_space<vmem>>, vector<16xi32>,
        tpu.vector_store %arg13[%parallel_loop3A_189], %parallel_loop3A_188 {strides = array<i32>} : memref<2000xi32, #tpu.memory_space<vmem>>, vector<16xi32>,
      } {sc.loop_unroll_factor = 4 : i64, sc.parallel_access}
      %add3A_100 = arith.constant 1 : i32
      %add3A_101 = arith.addi %mul3A_49, %add3A_100 : i32
      %mul3A_102 = arith.constant 100000 : i32
      %mul3A_103 = arith.muli %add3A, %mul3A_102 : i32
      %mul3A_104 = arith.constant 2000 : i32
      %mul3A_105 = arith.muli %add3A_101, %mul3A_104 : i32
      %add3A_106 = arith.addi %mul3A_103, %mul3A_105 : i32
      %dma_start3A_107 = tpu.memref_slice %arg6[%add3A_106] : memref<3200000xi32, #tpu.memory_space<hbm>> -> memref<2000xi32, #tpu.memory_space<hbm>>
      %dma_start3A_108 = tpu.memref_slice %arg6[%add3A_106] : memref<3200000xi32, #tpu.memory_space<hbm>> -> memref<2000xi32, #tpu.memory_space<hbm>>
      tpu.enqueue_dma source(%arg13 : memref<2000xi32, #tpu.memory_space<vmem>>) target(%dma_start3A_108 : memref<2000xi32, #tpu.memory_space<hbm>>) target_semaphore(%arg20 : memref<!tpu.dma_semaphore, #tpu.memory_space<semaphore_mem>>)
    }
    %scan3A_14 = arith.constant 25 : i32
    %dma_wait3A = arith.constant 0 : i32
    %dma_wait3A_15 = tpu.memref_slice %arg6[%dma_wait3A] : memref<3200000xi32, #tpu.memory_space<hbm>> -> memref<2000xi32, #tpu.memory_space<hbm>>
    %dma_wait3A_16 = arith.constant 0 : i32
    %dma_wait3A_17 = tpu.memref_slice %arg6[%dma_wait3A_16] : memref<3200000xi32, #tpu.memory_space<hbm>> -> memref<2000xi32, #tpu.memory_space<hbm>>
    tpu.wait_dma2 semaphore(%arg19 : memref<!tpu.dma_semaphore, #tpu.memory_space<semaphore_mem>>) src(%dma_wait3A_17 : memref<2000xi32, #tpu.memory_space<hbm>>) dst(%arg12 : memref<2000xi32, #tpu.memory_space<vmem>>)
    %dma_wait3A_18 = arith.constant 0 : i32
    %dma_wait3A_19 = tpu.memref_slice %arg6[%dma_wait3A_18] : memref<3200000xi32, #tpu.memory_space<hbm>> -> memref<2000xi32, #tpu.memory_space<hbm>>
    %dma_wait3A_20 = arith.constant 0 : i32
    %dma_wait3A_21 = tpu.memref_slice %arg6[%dma_wait3A_20] : memref<3200000xi32, #tpu.memory_space<hbm>> -> memref<2000xi32, #tpu.memory_space<hbm>>
    tpu.wait_dma2 semaphore(%arg20 : memref<!tpu.dma_semaphore, #tpu.memory_space<semaphore_mem>>) src(%dma_wait3A_21 : memref<2000xi32, #tpu.memory_space<hbm>>) dst(%arg13 : memref<2000xi32, #tpu.memory_space<vmem>>)
    "tpu.region"() ({
      %run_scoped3A = tpu.sem_alloc : memref<!tpu.dma_semaphore, #tpu.memory_space<semaphore_mem>>
      tpu.enqueue_dma source(%arg3 : memref<100000xi32, #tpu.memory_space<hbm>>) target(%arg7 : memref<100000xi32, #tpu.memory_space<vmem>>) target_semaphore(%run_scoped3A : memref<!tpu.dma_semaphore, #tpu.memory_space<semaphore_mem>>)
      tpu.wait_dma2 semaphore(%run_scoped3A : memref<!tpu.dma_semaphore, #tpu.memory_space<semaphore_mem>>) src(%arg3 : memref<100000xi32, #tpu.memory_space<hbm>>) dst(%arg7 : memref<100000xi32, #tpu.memory_space<vmem>>)
      tpu.yield
    }) : () -> ()
    %add3A_22 = arith.constant 0 : i32
    %add3A_23 = arith.addi %mul3A_2, %add3A_22 : i32
    %dma_start3A_24 = tpu.memref_slice %arg4[%add3A_23] : memref<12800000xi32, #tpu.memory_space<hbm>> -> memref<4000xi32, #tpu.memory_space<hbm>>
    %dma_start3A_25 = tpu.memref_slice %arg4[%add3A_23] : memref<12800000xi32, #tpu.memory_space<hbm>> -> memref<4000xi32, #tpu.memory_space<hbm>>
    tpu.enqueue_dma source(%dma_start3A_25 : memref<4000xi32, #tpu.memory_space<hbm>>) target(%arg8 : memref<4000xi32, #tpu.memory_space<vmem>>) target_semaphore(%arg15 : memref<!tpu.dma_semaphore, #tpu.memory_space<semaphore_mem>>)
    %add3A_26 = arith.constant 6400000 : i32
    %add3A_27 = arith.addi %add3A_26, %add3A_23 : i32
    %dma_start3A_28 = tpu.memref_slice %arg4[%add3A_27] : memref<12800000xi32, #tpu.memory_space<hbm>> -> memref<4000xi32, #tpu.memory_space<hbm>>
    %dma_start3A_29 = tpu.memref_slice %arg4[%add3A_27] : memref<12800000xi32, #tpu.memory_space<hbm>> -> memref<4000xi32, #tpu.memory_space<hbm>>
    tpu.enqueue_dma source(%dma_start3A_29 : memref<4000xi32, #tpu.memory_space<hbm>>) target(%arg10 : memref<4000xi32, #tpu.memory_space<vmem>>) target_semaphore(%arg17 : memref<!tpu.dma_semaphore, #tpu.memory_space<semaphore_mem>>)
    %mul3A_30 = arith.constant 100000 : i32
    %mul3A_31 = arith.muli %add3A, %mul3A_30 : i32
    %add3A_32 = arith.constant 0 : i32
    %add3A_33 = arith.addi %mul3A_31, %add3A_32 : i32
    %dma_start3A_34 = tpu.memref_slice %arg6[%add3A_33] : memref<3200000xi32, #tpu.memory_space<hbm>> -> memref<2000xi32, #tpu.memory_space<hbm>>
    %dma_start3A_35 = tpu.memref_slice %arg6[%add3A_33] : memref<3200000xi32, #tpu.memory_space<hbm>> -> memref<2000xi32, #tpu.memory_space<hbm>>
    tpu.enqueue_dma source(%dma_start3A_35 : memref<2000xi32, #tpu.memory_space<hbm>>) target(%arg12 : memref<2000xi32, #tpu.memory_space<vmem>>) target_semaphore(%arg19 : memref<!tpu.dma_semaphore, #tpu.memory_space<semaphore_mem>>)
    %broadcast_in_dim3A = arith.constant 0.000000e+00 : f32
    %broadcast_in_dim3A_36 = vector.broadcast %broadcast_in_dim3A : f32 to vector<16xf32>
    %scan3A_37 = arith.constant 0 : i32
    %scan3A_38 = arith.constant 25 : i32
    %scan3A_39 = arith.addi %scan3A_37, %scan3A_38 : i32
    %scan3A_40 = arith.constant 1 : i32
    %scan3A_41:2 = scf.for %scan3A_47 = %scan3A_37 to %scan3A_39 step %scan3A_40 iter_args(%scan3A_48 = %broadcast_in_dim3A_36, %scan3A_49 = %broadcast_in_dim3A_36) -> (vector<16xf32>, vector<16xf32>)  : i32 {
      %mul3A_50 = arith.constant 2 : i32
      %mul3A_51 = arith.muli %scan3A_47, %mul3A_50 : i32
      %add3A_52 = arith.constant 1 : i32
      %add3A_53 = arith.addi %mul3A_51, %add3A_52 : i32
      %mul3A_54 = arith.constant 4000 : i32
      %mul3A_55 = arith.muli %add3A_53, %mul3A_54 : i32
      %add3A_56 = arith.addi %mul3A_2, %mul3A_55 : i32
      %dma_start3A_57 = tpu.memref_slice %arg4[%add3A_56] : memref<12800000xi32, #tpu.memory_space<hbm>> -> memref<4000xi32, #tpu.memory_space<hbm>>
      %dma_start3A_58 = tpu.memref_slice %arg4[%add3A_56] : memref<12800000xi32, #tpu.memory_space<hbm>> -> memref<4000xi32, #tpu.memory_space<hbm>>
      tpu.enqueue_dma source(%dma_start3A_58 : memref<4000xi32, #tpu.memory_space<hbm>>) target(%arg9 : memref<4000xi32, #tpu.memory_space<vmem>>) target_semaphore(%arg16 : memref<!tpu.dma_semaphore, #tpu.memory_space<semaphore_mem>>)
      %add3A_59 = arith.constant 6400000 : i32
      %add3A_60 = arith.addi %add3A_59, %add3A_56 : i32
      %dma_start3A_61 = tpu.memref_slice %arg4[%add3A_60] : memref<12800000xi32, #tpu.memory_space<hbm>> -> memref<4000xi32, #tpu.memory_space<hbm>>
      %dma_start3A_62 = tpu.memref_slice %arg4[%add3A_60] : memref<12800000xi32, #tpu.memory_space<hbm>> -> memref<4000xi32, #tpu.memory_space<hbm>>
      tpu.enqueue_dma source(%dma_start3A_62 : memref<4000xi32, #tpu.memory_space<hbm>>) target(%arg11 : memref<4000xi32, #tpu.memory_space<vmem>>) target_semaphore(%arg18 : memref<!tpu.dma_semaphore, #tpu.memory_space<semaphore_mem>>)
      %add3A_63 = arith.constant 1 : i32
      %add3A_64 = arith.addi %mul3A_51, %add3A_63 : i32
      %mul3A_65 = arith.constant 100000 : i32
      %mul3A_66 = arith.muli %add3A, %mul3A_65 : i32
      %mul3A_67 = arith.constant 2000 : i32
      %mul3A_68 = arith.muli %add3A_64, %mul3A_67 : i32
      %add3A_69 = arith.addi %mul3A_66, %mul3A_68 : i32
      %dma_start3A_70 = tpu.memref_slice %arg6[%add3A_69] : memref<3200000xi32, #tpu.memory_space<hbm>> -> memref<2000xi32, #tpu.memory_space<hbm>>
      %dma_start3A_71 = tpu.memref_slice %arg6[%add3A_69] : memref<3200000xi32, #tpu.memory_space<hbm>> -> memref<2000xi32, #tpu.memory_space<hbm>>
      tpu.enqueue_dma source(%dma_start3A_71 : memref<2000xi32, #tpu.memory_space<hbm>>) target(%arg13 : memref<2000xi32, #tpu.memory_space<vmem>>) target_semaphore(%arg20 : memref<!tpu.dma_semaphore, #tpu.memory_space<semaphore_mem>>)
      %dma_wait3A_72 = arith.constant 0 : i32
      %dma_wait3A_73 = tpu.memref_slice %arg4[%dma_wait3A_72] : memref<12800000xi32, #tpu.memory_space<hbm>> -> memref<4000xi32, #tpu.memory_space<hbm>>
      %dma_wait3A_74 = arith.constant 0 : i32
      %dma_wait3A_75 = tpu.memref_slice %arg4[%dma_wait3A_74] : memref<12800000xi32, #tpu.memory_space<hbm>> -> memref<4000xi32, #tpu.memory_space<hbm>>
      tpu.wait_dma2 semaphore(%arg15 : memref<!tpu.dma_semaphore, #tpu.memory_space<semaphore_mem>>) src(%dma_wait3A_75 : memref<4000xi32, #tpu.memory_space<hbm>>) dst(%arg8 : memref<4000xi32, #tpu.memory_space<vmem>>)
      %dma_wait3A_76 = arith.constant 0 : i32
      %dma_wait3A_77 = tpu.memref_slice %arg4[%dma_wait3A_76] : memref<12800000xi32, #tpu.memory_space<hbm>> -> memref<4000xi32, #tpu.memory_space<hbm>>
      %dma_wait3A_78 = arith.constant 0 : i32
      %dma_wait3A_79 = tpu.memref_slice %arg4[%dma_wait3A_78] : memref<12800000xi32, #tpu.memory_space<hbm>> -> memref<4000xi32, #tpu.memory_space<hbm>>
      tpu.wait_dma2 semaphore(%arg17 : memref<!tpu.dma_semaphore, #tpu.memory_space<semaphore_mem>>) src(%dma_wait3A_79 : memref<4000xi32, #tpu.memory_space<hbm>>) dst(%arg10 : memref<4000xi32, #tpu.memory_space<vmem>>)
      %dma_wait3A_80 = arith.constant 0 : i32
      %dma_wait3A_81 = tpu.memref_slice %arg6[%dma_wait3A_80] : memref<3200000xi32, #tpu.memory_space<hbm>> -> memref<2000xi32, #tpu.memory_space<hbm>>
      %dma_wait3A_82 = arith.constant 0 : i32
      %dma_wait3A_83 = tpu.memref_slice %arg6[%dma_wait3A_82] : memref<3200000xi32, #tpu.memory_space<hbm>> -> memref<2000xi32, #tpu.memory_space<hbm>>
      tpu.wait_dma2 semaphore(%arg19 : memref<!tpu.dma_semaphore, #tpu.memory_space<semaphore_mem>>) src(%dma_wait3A_83 : memref<2000xi32, #tpu.memory_space<hbm>>) dst(%arg12 : memref<2000xi32, #tpu.memory_space<vmem>>)
      %parallel_loop3A = arith.constant 0 : i32
      %parallel_loop3A_84 = arith.constant 4000 : i32
      %parallel_loop3A_85 = arith.constant 32 : i32
      %parallel_loop3A_86:2 = scf.for %parallel_loop3A_105 = %parallel_loop3A to %parallel_loop3A_84 step %parallel_loop3A_85 iter_args(%parallel_loop3A_106 = %scan3A_48, %parallel_loop3A_107 = %scan3A_49) -> (vector<16xf32>, vector<16xf32>)  : i32 {
        %parallel_loop3A_108 = arith.index_cast %parallel_loop3A_105 : i32 to index
        %parallel_loop3A_109 = tpu.vector_load %arg8[%parallel_loop3A_108] {strides = array<i32>} : memref<4000xi32, #tpu.memory_space<vmem>>, vector<16xi32>,
        %parallel_loop3A_110 = arith.index_cast %parallel_loop3A_105 : i32 to index
        %parallel_loop3A_111 = tpu.vector_load %arg10[%parallel_loop3A_110] {strides = array<i32>} : memref<4000xi32, #tpu.memory_space<vmem>>, vector<16xi32>,
        %parallel_loop3A_112 = tpu.vector_load_idx %arg7[%parallel_loop3A_109] : memref<100000xi32, #tpu.memory_space<vmem>>[vector<16xi32>], vector<16xi32>,
        %parallel_loop3A_113 = tpu.vector_load_idx %arg7[%parallel_loop3A_111] : memref<100000xi32, #tpu.memory_space<vmem>>[vector<16xi32>], vector<16xi32>,
        %parallel_loop3A_114 = vector.bitcast %parallel_loop3A_112 : vector<16xi32> to vector<32xbf16>
        %parallel_loop3A_115 = vector.bitcast %parallel_loop3A_113 : vector<16xi32> to vector<32xbf16>
        %parallel_loop3A_116 = arith.subf %parallel_loop3A_114, %parallel_loop3A_115 : vector<32xbf16>
        %parallel_loop3A_117 = math.absf %parallel_loop3A_116 : vector<32xbf16>
        %parallel_loop3A_118 = vector.bitcast %parallel_loop3A_117 : vector<32xbf16> to vector<16xi32>
        %parallel_loop3A_119 = arith.addf %parallel_loop3A_114, %parallel_loop3A_115 : vector<32xbf16>
        %parallel_loop3A_120 = vector.bitcast %parallel_loop3A_119 : vector<32xbf16> to vector<16xi32>
        %parallel_loop3A_121 = arith.constant -65536 : i32
        %parallel_loop3A_122 = vector.broadcast %parallel_loop3A_121 : i32 to vector<16xi32>
        %parallel_loop3A_123 = arith.andi %parallel_loop3A_118, %parallel_loop3A_122 : vector<16xi32>
        %parallel_loop3A_124 = vector.bitcast %parallel_loop3A_123 : vector<16xi32> to vector<16xf32>
        %parallel_loop3A_125 = arith.constant 16 : i32
        %parallel_loop3A_126 = vector.broadcast %parallel_loop3A_125 : i32 to vector<16xi32>
        %parallel_loop3A_127 = arith.shli %parallel_loop3A_120, %parallel_loop3A_126 : vector<16xi32>
        %parallel_loop3A_128 = vector.bitcast %parallel_loop3A_127 : vector<16xi32> to vector<16xf32>
        %parallel_loop3A_129 = arith.subf %parallel_loop3A_128, %parallel_loop3A_124 : vector<16xf32>
        %parallel_loop3A_130 = arith.constant 0.000000e+00 : f32
        %parallel_loop3A_131 = vector.broadcast %parallel_loop3A_130 : f32 to vector<16xf32>
        %parallel_loop3A_132 = arith.maximumf %parallel_loop3A_129, %parallel_loop3A_131 : vector<16xf32>
        %parallel_loop3A_133 = arith.constant 16 : i32
        %parallel_loop3A_134 = arith.addi %parallel_loop3A_105, %parallel_loop3A_133 : i32
        %parallel_loop3A_135 = arith.index_cast %parallel_loop3A_134 : i32 to index
        %parallel_loop3A_136 = tpu.vector_load %arg8[%parallel_loop3A_135] {strides = array<i32>} : memref<4000xi32, #tpu.memory_space<vmem>>, vector<16xi32>,
        %parallel_loop3A_137 = arith.index_cast %parallel_loop3A_134 : i32 to index
        %parallel_loop3A_138 = tpu.vector_load %arg10[%parallel_loop3A_137] {strides = array<i32>} : memref<4000xi32, #tpu.memory_space<vmem>>, vector<16xi32>,
        %parallel_loop3A_139 = tpu.vector_load_idx %arg7[%parallel_loop3A_136] : memref<100000xi32, #tpu.memory_space<vmem>>[vector<16xi32>], vector<16xi32>,
        %parallel_loop3A_140 = tpu.vector_load_idx %arg7[%parallel_loop3A_138] : memref<100000xi32, #tpu.memory_space<vmem>>[vector<16xi32>], vector<16xi32>,
        %parallel_loop3A_141 = vector.bitcast %parallel_loop3A_139 : vector<16xi32> to vector<32xbf16>
        %parallel_loop3A_142 = vector.bitcast %parallel_loop3A_140 : vector<16xi32> to vector<32xbf16>
        %parallel_loop3A_143 = arith.subf %parallel_loop3A_141, %parallel_loop3A_142 : vector<32xbf16>
        %parallel_loop3A_144 = math.absf %parallel_loop3A_143 : vector<32xbf16>
        %parallel_loop3A_145 = vector.bitcast %parallel_loop3A_144 : vector<32xbf16> to vector<16xi32>
        %parallel_loop3A_146 = arith.addf %parallel_loop3A_141, %parallel_loop3A_142 : vector<32xbf16>
        %parallel_loop3A_147 = vector.bitcast %parallel_loop3A_146 : vector<32xbf16> to vector<16xi32>
        %parallel_loop3A_148 = arith.constant -65536 : i32
        %parallel_loop3A_149 = vector.broadcast %parallel_loop3A_148 : i32 to vector<16xi32>
        %parallel_loop3A_150 = arith.andi %parallel_loop3A_145, %parallel_loop3A_149 : vector<16xi32>
        %parallel_loop3A_151 = vector.bitcast %parallel_loop3A_150 : vector<16xi32> to vector<16xf32>
        %parallel_loop3A_152 = arith.constant 16 : i32
        %parallel_loop3A_153 = vector.broadcast %parallel_loop3A_152 : i32 to vector<16xi32>
        %parallel_loop3A_154 = arith.shli %parallel_loop3A_147, %parallel_loop3A_153 : vector<16xi32>
        %parallel_loop3A_155 = vector.bitcast %parallel_loop3A_154 : vector<16xi32> to vector<16xf32>
        %parallel_loop3A_156 = arith.subf %parallel_loop3A_155, %parallel_loop3A_151 : vector<16xf32>
        %parallel_loop3A_157 = arith.constant 0.000000e+00 : f32
        %parallel_loop3A_158 = vector.broadcast %parallel_loop3A_157 : f32 to vector<16xf32>
        %parallel_loop3A_159 = arith.maximumf %parallel_loop3A_156, %parallel_loop3A_158 : vector<16xf32>
        %parallel_loop3A_160 = arith.constant 2 : i32
        %parallel_loop3A_161 = arith.divsi %parallel_loop3A_105, %parallel_loop3A_160 : i32
        %parallel_loop3A_162 = arith.constant 0 : i32
        %parallel_loop3A_163 = arith.cmpi sgt, %parallel_loop3A_105, %parallel_loop3A_162 : i32
        %parallel_loop3A_164 = arith.extui %parallel_loop3A_163 : i1 to i32
        %parallel_loop3A_165 = arith.constant 0 : i32
        %parallel_loop3A_166 = arith.cmpi slt, %parallel_loop3A_105, %parallel_loop3A_165 : i32
        %parallel_loop3A_167 = arith.extui %parallel_loop3A_166 : i1 to i32
        %parallel_loop3A_168 = arith.subi %parallel_loop3A_164, %parallel_loop3A_167 : i32
        %parallel_loop3A_169 = arith.constant 0 : i32
        %parallel_loop3A_170 = arith.cmpi sgt, %parallel_loop3A_160, %parallel_loop3A_169 : i32
        %parallel_loop3A_171 = arith.extui %parallel_loop3A_170 : i1 to i32
        %parallel_loop3A_172 = arith.constant 0 : i32
        %parallel_loop3A_173 = arith.cmpi slt, %parallel_loop3A_160, %parallel_loop3A_172 : i32
        %parallel_loop3A_174 = arith.extui %parallel_loop3A_173 : i1 to i32
        %parallel_loop3A_175 = arith.subi %parallel_loop3A_171, %parallel_loop3A_174 : i32
        %parallel_loop3A_176 = arith.cmpi ne, %parallel_loop3A_168, %parallel_loop3A_175 : i32
        %parallel_loop3A_177 = arith.remsi %parallel_loop3A_105, %parallel_loop3A_160 : i32
        %parallel_loop3A_178 = arith.constant 0 : i32
        %parallel_loop3A_179 = arith.cmpi ne, %parallel_loop3A_177, %parallel_loop3A_178 : i32
        %parallel_loop3A_180 = arith.andi %parallel_loop3A_176, %parallel_loop3A_179 : i1
        %parallel_loop3A_181 = arith.constant 1 : i32
        %parallel_loop3A_182 = arith.subi %parallel_loop3A_161, %parallel_loop3A_181 : i32
        %parallel_loop3A_183 = arith.select %parallel_loop3A_180, %parallel_loop3A_182, %parallel_loop3A_161 : i32
        %parallel_loop3A_184 = tpu.assume_multiple %parallel_loop3A_183, 16 : i32
        %parallel_loop3A_185 = arith.index_cast %parallel_loop3A_184 : i32 to index
        %parallel_loop3A_186 = tpu.vector_load %arg12[%parallel_loop3A_185] {strides = array<i32>} : memref<2000xi32, #tpu.memory_space<vmem>>, vector<16xi32>,
        %parallel_loop3A_187 = vector.bitcast %parallel_loop3A_186 : vector<16xi32> to vector<32xbf16>
        %parallel_loop3A_188 = tpu.unpack_subelements %parallel_loop3A_187, 0 {pack_format = #tpu.pack_format<interleaved>} : vector<32xbf16> -> vector<16xf32>
        %parallel_loop3A_189 = tpu.unpack_subelements %parallel_loop3A_187, 1 {pack_format = #tpu.pack_format<interleaved>} : vector<32xbf16> -> vector<16xf32>
        %parallel_loop3A_190 = arith.mulf %parallel_loop3A_132, %parallel_loop3A_188 : vector<16xf32>
        %parallel_loop3A_191 = arith.addf %parallel_loop3A_106, %parallel_loop3A_190 : vector<16xf32>
        %parallel_loop3A_192 = arith.mulf %parallel_loop3A_159, %parallel_loop3A_189 : vector<16xf32>
        %parallel_loop3A_193 = arith.addf %parallel_loop3A_107, %parallel_loop3A_192 : vector<16xf32>
        scf.yield %parallel_loop3A_191, %parallel_loop3A_193 : vector<16xf32>, vector<16xf32>
      } {sc.loop_unroll_factor = 4 : i64, sc.parallel_access}
      %lt3A = arith.constant 24 : i32
      %lt3A_87 = arith.cmpi slt, %scan3A_47, %lt3A : i32
      %convert_element_type3A = arith.extui %lt3A_87 : i1 to i32
      %cond3A = arith.constant 0 : i32
      %cond3A_88 = arith.cmpi ne, %convert_element_type3A, %cond3A : i32
      scf.if %cond3A_88 {
        %add3A_105 = arith.constant 2 : i32
        %add3A_106 = arith.addi %mul3A_51, %add3A_105 : i32
        %mul3A_107 = arith.constant 4000 : i32
        %mul3A_108 = arith.muli %add3A_106, %mul3A_107 : i32
        %add3A_109 = arith.addi %mul3A_2, %mul3A_108 : i32
        %dma_start3A_110 = tpu.memref_slice %arg4[%add3A_109] : memref<12800000xi32, #tpu.memory_space<hbm>> -> memref<4000xi32, #tpu.memory_space<hbm>>
        %dma_start3A_111 = tpu.memref_slice %arg4[%add3A_109] : memref<12800000xi32, #tpu.memory_space<hbm>> -> memref<4000xi32, #tpu.memory_space<hbm>>
        tpu.enqueue_dma source(%dma_start3A_111 : memref<4000xi32, #tpu.memory_space<hbm>>) target(%arg8 : memref<4000xi32, #tpu.memory_space<vmem>>) target_semaphore(%arg15 : memref<!tpu.dma_semaphore, #tpu.memory_space<semaphore_mem>>)
        %add3A_112 = arith.constant 6400000 : i32
        %add3A_113 = arith.addi %add3A_112, %add3A_109 : i32
        %dma_start3A_114 = tpu.memref_slice %arg4[%add3A_113] : memref<12800000xi32, #tpu.memory_space<hbm>> -> memref<4000xi32, #tpu.memory_space<hbm>>
        %dma_start3A_115 = tpu.memref_slice %arg4[%add3A_113] : memref<12800000xi32, #tpu.memory_space<hbm>> -> memref<4000xi32, #tpu.memory_space<hbm>>
        tpu.enqueue_dma source(%dma_start3A_115 : memref<4000xi32, #tpu.memory_space<hbm>>) target(%arg10 : memref<4000xi32, #tpu.memory_space<vmem>>) target_semaphore(%arg17 : memref<!tpu.dma_semaphore, #tpu.memory_space<semaphore_mem>>)
        %add3A_116 = arith.constant 2 : i32
        %add3A_117 = arith.addi %mul3A_51, %add3A_116 : i32
        %mul3A_118 = arith.constant 100000 : i32
        %mul3A_119 = arith.muli %add3A, %mul3A_118 : i32
        %mul3A_120 = arith.constant 2000 : i32
        %mul3A_121 = arith.muli %add3A_117, %mul3A_120 : i32
        %add3A_122 = arith.addi %mul3A_119, %mul3A_121 : i32
        %dma_start3A_123 = tpu.memref_slice %arg6[%add3A_122] : memref<3200000xi32, #tpu.memory_space<hbm>> -> memref<2000xi32, #tpu.memory_space<hbm>>
        %dma_start3A_124 = tpu.memref_slice %arg6[%add3A_122] : memref<3200000xi32, #tpu.memory_space<hbm>> -> memref<2000xi32, #tpu.memory_space<hbm>>
        tpu.enqueue_dma source(%dma_start3A_124 : memref<2000xi32, #tpu.memory_space<hbm>>) target(%arg12 : memref<2000xi32, #tpu.memory_space<vmem>>) target_semaphore(%arg19 : memref<!tpu.dma_semaphore, #tpu.memory_space<semaphore_mem>>)
      } else {
      }
      %dma_wait3A_89 = arith.constant 0 : i32
      %dma_wait3A_90 = tpu.memref_slice %arg4[%dma_wait3A_89] : memref<12800000xi32, #tpu.memory_space<hbm>> -> memref<4000xi32, #tpu.memory_space<hbm>>
      %dma_wait3A_91 = arith.constant 0 : i32
      %dma_wait3A_92 = tpu.memref_slice %arg4[%dma_wait3A_91] : memref<12800000xi32, #tpu.memory_space<hbm>> -> memref<4000xi32, #tpu.memory_space<hbm>>
      tpu.wait_dma2 semaphore(%arg16 : memref<!tpu.dma_semaphore, #tpu.memory_space<semaphore_mem>>) src(%dma_wait3A_92 : memref<4000xi32, #tpu.memory_space<hbm>>) dst(%arg9 : memref<4000xi32, #tpu.memory_space<vmem>>)
      %dma_wait3A_93 = arith.constant 0 : i32
      %dma_wait3A_94 = tpu.memref_slice %arg4[%dma_wait3A_93] : memref<12800000xi32, #tpu.memory_space<hbm>> -> memref<4000xi32, #tpu.memory_space<hbm>>
      %dma_wait3A_95 = arith.constant 0 : i32
      %dma_wait3A_96 = tpu.memref_slice %arg4[%dma_wait3A_95] : memref<12800000xi32, #tpu.memory_space<hbm>> -> memref<4000xi32, #tpu.memory_space<hbm>>
      tpu.wait_dma2 semaphore(%arg18 : memref<!tpu.dma_semaphore, #tpu.memory_space<semaphore_mem>>) src(%dma_wait3A_96 : memref<4000xi32, #tpu.memory_space<hbm>>) dst(%arg11 : memref<4000xi32, #tpu.memory_space<vmem>>)
      %dma_wait3A_97 = arith.constant 0 : i32
      %dma_wait3A_98 = tpu.memref_slice %arg6[%dma_wait3A_97] : memref<3200000xi32, #tpu.memory_space<hbm>> -> memref<2000xi32, #tpu.memory_space<hbm>>
      %dma_wait3A_99 = arith.constant 0 : i32
      %dma_wait3A_100 = tpu.memref_slice %arg6[%dma_wait3A_99] : memref<3200000xi32, #tpu.memory_space<hbm>> -> memref<2000xi32, #tpu.memory_space<hbm>>
      tpu.wait_dma2 semaphore(%arg20 : memref<!tpu.dma_semaphore, #tpu.memory_space<semaphore_mem>>) src(%dma_wait3A_100 : memref<2000xi32, #tpu.memory_space<hbm>>) dst(%arg13 : memref<2000xi32, #tpu.memory_space<vmem>>)
      %parallel_loop3A_101 = arith.constant 0 : i32
      %parallel_loop3A_102 = arith.constant 4000 : i32
      %parallel_loop3A_103 = arith.constant 32 : i32
      %parallel_loop3A_104:2 = scf.for %parallel_loop3A_105 = %parallel_loop3A_101 to %parallel_loop3A_102 step %parallel_loop3A_103 iter_args(%parallel_loop3A_106 = %parallel_loop3A_86#0, %parallel_loop3A_107 = %parallel_loop3A_86#1) -> (vector<16xf32>, vector<16xf32>)  : i32 {
        %parallel_loop3A_108 = arith.index_cast %parallel_loop3A_105 : i32 to index
        %parallel_loop3A_109 = tpu.vector_load %arg9[%parallel_loop3A_108] {strides = array<i32>} : memref<4000xi32, #tpu.memory_space<vmem>>, vector<16xi32>,
        %parallel_loop3A_110 = arith.index_cast %parallel_loop3A_105 : i32 to index
        %parallel_loop3A_111 = tpu.vector_load %arg11[%parallel_loop3A_110] {strides = array<i32>} : memref<4000xi32, #tpu.memory_space<vmem>>, vector<16xi32>,
        %parallel_loop3A_112 = tpu.vector_load_idx %arg7[%parallel_loop3A_109] : memref<100000xi32, #tpu.memory_space<vmem>>[vector<16xi32>], vector<16xi32>,
        %parallel_loop3A_113 = tpu.vector_load_idx %arg7[%parallel_loop3A_111] : memref<100000xi32, #tpu.memory_space<vmem>>[vector<16xi32>], vector<16xi32>,
        %parallel_loop3A_114 = vector.bitcast %parallel_loop3A_112 : vector<16xi32> to vector<32xbf16>
        %parallel_loop3A_115 = vector.bitcast %parallel_loop3A_113 : vector<16xi32> to vector<32xbf16>
        %parallel_loop3A_116 = arith.subf %parallel_loop3A_114, %parallel_loop3A_115 : vector<32xbf16>
        %parallel_loop3A_117 = math.absf %parallel_loop3A_116 : vector<32xbf16>
        %parallel_loop3A_118 = vector.bitcast %parallel_loop3A_117 : vector<32xbf16> to vector<16xi32>
        %parallel_loop3A_119 = arith.addf %parallel_loop3A_114, %parallel_loop3A_115 : vector<32xbf16>
        %parallel_loop3A_120 = vector.bitcast %parallel_loop3A_119 : vector<32xbf16> to vector<16xi32>
        %parallel_loop3A_121 = arith.constant -65536 : i32
        %parallel_loop3A_122 = vector.broadcast %parallel_loop3A_121 : i32 to vector<16xi32>
        %parallel_loop3A_123 = arith.andi %parallel_loop3A_118, %parallel_loop3A_122 : vector<16xi32>
        %parallel_loop3A_124 = vector.bitcast %parallel_loop3A_123 : vector<16xi32> to vector<16xf32>
        %parallel_loop3A_125 = arith.constant 16 : i32
        %parallel_loop3A_126 = vector.broadcast %parallel_loop3A_125 : i32 to vector<16xi32>
        %parallel_loop3A_127 = arith.shli %parallel_loop3A_120, %parallel_loop3A_126 : vector<16xi32>
        %parallel_loop3A_128 = vector.bitcast %parallel_loop3A_127 : vector<16xi32> to vector<16xf32>
        %parallel_loop3A_129 = arith.subf %parallel_loop3A_128, %parallel_loop3A_124 : vector<16xf32>
        %parallel_loop3A_130 = arith.constant 0.000000e+00 : f32
        %parallel_loop3A_131 = vector.broadcast %parallel_loop3A_130 : f32 to vector<16xf32>
        %parallel_loop3A_132 = arith.maximumf %parallel_loop3A_129, %parallel_loop3A_131 : vector<16xf32>
        %parallel_loop3A_133 = arith.constant 16 : i32
        %parallel_loop3A_134 = arith.addi %parallel_loop3A_105, %parallel_loop3A_133 : i32
        %parallel_loop3A_135 = arith.index_cast %parallel_loop3A_134 : i32 to index
        %parallel_loop3A_136 = tpu.vector_load %arg9[%parallel_loop3A_135] {strides = array<i32>} : memref<4000xi32, #tpu.memory_space<vmem>>, vector<16xi32>,
        %parallel_loop3A_137 = arith.index_cast %parallel_loop3A_134 : i32 to index
        %parallel_loop3A_138 = tpu.vector_load %arg11[%parallel_loop3A_137] {strides = array<i32>} : memref<4000xi32, #tpu.memory_space<vmem>>, vector<16xi32>,
        %parallel_loop3A_139 = tpu.vector_load_idx %arg7[%parallel_loop3A_136] : memref<100000xi32, #tpu.memory_space<vmem>>[vector<16xi32>], vector<16xi32>,
        %parallel_loop3A_140 = tpu.vector_load_idx %arg7[%parallel_loop3A_138] : memref<100000xi32, #tpu.memory_space<vmem>>[vector<16xi32>], vector<16xi32>,
        %parallel_loop3A_141 = vector.bitcast %parallel_loop3A_139 : vector<16xi32> to vector<32xbf16>
        %parallel_loop3A_142 = vector.bitcast %parallel_loop3A_140 : vector<16xi32> to vector<32xbf16>
        %parallel_loop3A_143 = arith.subf %parallel_loop3A_141, %parallel_loop3A_142 : vector<32xbf16>
        %parallel_loop3A_144 = math.absf %parallel_loop3A_143 : vector<32xbf16>
        %parallel_loop3A_145 = vector.bitcast %parallel_loop3A_144 : vector<32xbf16> to vector<16xi32>
        %parallel_loop3A_146 = arith.addf %parallel_loop3A_141, %parallel_loop3A_142 : vector<32xbf16>
        %parallel_loop3A_147 = vector.bitcast %parallel_loop3A_146 : vector<32xbf16> to vector<16xi32>
        %parallel_loop3A_148 = arith.constant -65536 : i32
        %parallel_loop3A_149 = vector.broadcast %parallel_loop3A_148 : i32 to vector<16xi32>
        %parallel_loop3A_150 = arith.andi %parallel_loop3A_145, %parallel_loop3A_149 : vector<16xi32>
        %parallel_loop3A_151 = vector.bitcast %parallel_loop3A_150 : vector<16xi32> to vector<16xf32>
        %parallel_loop3A_152 = arith.constant 16 : i32
        %parallel_loop3A_153 = vector.broadcast %parallel_loop3A_152 : i32 to vector<16xi32>
        %parallel_loop3A_154 = arith.shli %parallel_loop3A_147, %parallel_loop3A_153 : vector<16xi32>
        %parallel_loop3A_155 = vector.bitcast %parallel_loop3A_154 : vector<16xi32> to vector<16xf32>
        %parallel_loop3A_156 = arith.subf %parallel_loop3A_155, %parallel_loop3A_151 : vector<16xf32>
        %parallel_loop3A_157 = arith.constant 0.000000e+00 : f32
        %parallel_loop3A_158 = vector.broadcast %parallel_loop3A_157 : f32 to vector<16xf32>
        %parallel_loop3A_159 = arith.maximumf %parallel_loop3A_156, %parallel_loop3A_158 : vector<16xf32>
        %parallel_loop3A_160 = arith.constant 2 : i32
        %parallel_loop3A_161 = arith.divsi %parallel_loop3A_105, %parallel_loop3A_160 : i32
        %parallel_loop3A_162 = arith.constant 0 : i32
        %parallel_loop3A_163 = arith.cmpi sgt, %parallel_loop3A_105, %parallel_loop3A_162 : i32
        %parallel_loop3A_164 = arith.extui %parallel_loop3A_163 : i1 to i32
        %parallel_loop3A_165 = arith.constant 0 : i32
        %parallel_loop3A_166 = arith.cmpi slt, %parallel_loop3A_105, %parallel_loop3A_165 : i32
        %parallel_loop3A_167 = arith.extui %parallel_loop3A_166 : i1 to i32
        %parallel_loop3A_168 = arith.subi %parallel_loop3A_164, %parallel_loop3A_167 : i32
        %parallel_loop3A_169 = arith.constant 0 : i32
        %parallel_loop3A_170 = arith.cmpi sgt, %parallel_loop3A_160, %parallel_loop3A_169 : i32
        %parallel_loop3A_171 = arith.extui %parallel_loop3A_170 : i1 to i32
        %parallel_loop3A_172 = arith.constant 0 : i32
        %parallel_loop3A_173 = arith.cmpi slt, %parallel_loop3A_160, %parallel_loop3A_172 : i32
        %parallel_loop3A_174 = arith.extui %parallel_loop3A_173 : i1 to i32
        %parallel_loop3A_175 = arith.subi %parallel_loop3A_171, %parallel_loop3A_174 : i32
        %parallel_loop3A_176 = arith.cmpi ne, %parallel_loop3A_168, %parallel_loop3A_175 : i32
        %parallel_loop3A_177 = arith.remsi %parallel_loop3A_105, %parallel_loop3A_160 : i32
        %parallel_loop3A_178 = arith.constant 0 : i32
        %parallel_loop3A_179 = arith.cmpi ne, %parallel_loop3A_177, %parallel_loop3A_178 : i32
        %parallel_loop3A_180 = arith.andi %parallel_loop3A_176, %parallel_loop3A_179 : i1
        %parallel_loop3A_181 = arith.constant 1 : i32
        %parallel_loop3A_182 = arith.subi %parallel_loop3A_161, %parallel_loop3A_181 : i32
        %parallel_loop3A_183 = arith.select %parallel_loop3A_180, %parallel_loop3A_182, %parallel_loop3A_161 : i32
        %parallel_loop3A_184 = tpu.assume_multiple %parallel_loop3A_183, 16 : i32
        %parallel_loop3A_185 = arith.index_cast %parallel_loop3A_184 : i32 to index
        %parallel_loop3A_186 = tpu.vector_load %arg13[%parallel_loop3A_185] {strides = array<i32>} : memref<2000xi32, #tpu.memory_space<vmem>>, vector<16xi32>,
        %parallel_loop3A_187 = vector.bitcast %parallel_loop3A_186 : vector<16xi32> to vector<32xbf16>
        %parallel_loop3A_188 = tpu.unpack_subelements %parallel_loop3A_187, 0 {pack_format = #tpu.pack_format<interleaved>} : vector<32xbf16> -> vector<16xf32>
        %parallel_loop3A_189 = tpu.unpack_subelements %parallel_loop3A_187, 1 {pack_format = #tpu.pack_format<interleaved>} : vector<32xbf16> -> vector<16xf32>
        %parallel_loop3A_190 = arith.mulf %parallel_loop3A_132, %parallel_loop3A_188 : vector<16xf32>
        %parallel_loop3A_191 = arith.addf %parallel_loop3A_106, %parallel_loop3A_190 : vector<16xf32>
        %parallel_loop3A_192 = arith.mulf %parallel_loop3A_159, %parallel_loop3A_189 : vector<16xf32>
        %parallel_loop3A_193 = arith.addf %parallel_loop3A_107, %parallel_loop3A_192 : vector<16xf32>
        scf.yield %parallel_loop3A_191, %parallel_loop3A_193 : vector<16xf32>, vector<16xf32>
      } {sc.loop_unroll_factor = 4 : i64, sc.parallel_access}
      scf.yield %parallel_loop3A_104#0, %parallel_loop3A_104#1 : vector<16xf32>, vector<16xf32>
    }
    %scan3A_42 = arith.constant 25 : i32
    %add3A_43 = arith.addf %scan3A_41#0, %scan3A_41#1 : vector<16xf32>
    %swap3A = arith.constant 0 : index
    %swap3A_44 = tpu.vector_load %arg14[%swap3A] {strides = array<i32>} : memref<16xf32, #tpu.memory_space<vmem>>, vector<16xf32>,
    tpu.vector_store %arg14[%swap3A], %add3A_43 {strides = array<i32>} : memref<16xf32, #tpu.memory_space<vmem>>, vector<16xf32>,
    %mul3A_45 = arith.constant 16 : i32
    %mul3A_46 = arith.muli %add3A, %mul3A_45 : i32
    "tpu.region"() ({
      %run_scoped3A = tpu.sem_alloc : memref<!tpu.dma_semaphore, #tpu.memory_space<semaphore_mem>>
      %dma_start3A_47 = tpu.memref_slice %arg5[%mul3A_46] : memref<512xf32, #tpu.memory_space<hbm>> -> memref<16xf32, #tpu.memory_space<hbm>>
      %dma_start3A_48 = tpu.memref_slice %arg5[%mul3A_46] : memref<512xf32, #tpu.memory_space<hbm>> -> memref<16xf32, #tpu.memory_space<hbm>>
      tpu.enqueue_dma source(%arg14 : memref<16xf32, #tpu.memory_space<vmem>>) target(%dma_start3A_48 : memref<16xf32, #tpu.memory_space<hbm>>) target_semaphore(%run_scoped3A : memref<!tpu.dma_semaphore, #tpu.memory_space<semaphore_mem>>)
      %dma_wait3A_49 = tpu.memref_slice %arg5[%mul3A_46] : memref<512xf32, #tpu.memory_space<hbm>> -> memref<16xf32, #tpu.memory_space<hbm>>
      %dma_wait3A_50 = tpu.memref_slice %arg5[%mul3A_46] : memref<512xf32, #tpu.memory_space<hbm>> -> memref<16xf32, #tpu.memory_space<hbm>>
      tpu.wait_dma2 semaphore(%run_scoped3A : memref<!tpu.dma_semaphore, #tpu.memory_space<semaphore_mem>>) src(%arg14 : memref<16xf32, #tpu.memory_space<vmem>>) dst(%dma_wait3A_50 : memref<16xf32, #tpu.memory_space<hbm>>)
      tpu.yield
    }) : () -> ()
    return
  }
}

</mosaic_0001>

<sc_bundles>
// kernel: _sc_call.3.cloned.1.call-start
scs
__scs_entry_jumppad:
0x0: {  	(pc) =	sbr.rel $0x88, $3  }
0x1: {  	(tag) =	ssettag $0x0;
	lr =	simm.s32 $0x1  }
0x2: {  	[smem:$0x3F9E] =	sst lr;
	_ =	strace $0xD0000000  }
0x3: {  	_ = 	snop  }
0x4: {  	_ = 	snop  }
0x5: {  	_ = 	snop  }
0x6: {  	_ = 	snop  }
0x7: {  	_ = 	snop  }
__scs_overlays_trampoline_lowered:
0x8: {  	[smem:$0x3FAD] =	sst s0  }
0x9: {  	[smem:$0x3FAE] =	sst s1  }
0xa: {  	[smem:$0x3FAF] =	sst s2  }
0xb: {  	[smem:$0x3FB0] =	sst s3  }
0xc: {  	[smem:$0x3FB1] =	sst s4  }
0xd: {  	[smem:$0x3FB2] =	sst s5  }
0xe: {  	[smem:$0x3FB3] =	sst s6  }
0xf: {  	[smem:$0x3FB4] =	sst s7  }
0x10: {  	[smem:$0x3FB5] =	sst s8  }
0x11: {  	[smem:$0x3FB6] =	sst s9;
	s0 =	simm.s32 @!p0 $0x0  }
0x12: {  	s1 =	sld [smem:$0x3F9C];
	s0 =	simm.s32 @p0 $0x1  }
0x13: {  	[smem:$0x3FB7] =	sst s0;
	s0 =	simm.s32 @!p1 $0x0  }
0x14: {  	s2 =	sld [smem:$0x3F9B];
	s0 =	simm.s32 @p1 $0x1  }
0x15: {  	[smem:$0x3FB8] =	sst s0;
	s0 =	simm.s32 @!p2 $0x0  }
0x16: {  	s3 =	sld [smem:$0x3FDB];
	s0 =	simm.s32 @p2 $0x1  }
0x17: {  	s4 =	simm.s32 $0x1BF5;
	[smem:$0x3FBA] =	sst s0  }
0x18: {  	s0 =	sld [smem:$0x3F9D];
	_ =	swait.ge [sflag:s4], $0x0  }
0x19: {  	s7 =	sld [smem:$0x3F9E]  }
0x1a: {  	s8 =	sadd.s32 $0xFFFFE003, lr  }
0x1b: {  	s9 =	sadd.s32 $0xFFFFFEF7, lr;
	s5 =	simm.s32 $0xFFFFFFFF;
	p2 =	slt.u32 s8, $0xFFFFF086  }
0x1c: {  	p1 =	slt.u32 s9, $0xF7A;
	s5 =	simm.s32 @!p2 $0x0  }
0x1d: {  	s5 =	simm.s32 @p1 $0x1;
	p0 =	seq.s32 s7, s2  }
0x1e: {  	s7 =	smul.u32 @!p0 $0xF7A, s2;
	p2 =	seq.s32 @!p0 s5, $0x0  }
0x1f: {  	s9 =	smul.u32 $0xF7A, s1;
	s8 =	simm.s32 @!p0 $0x1BF5;
	p2 =	por !p2, p0  }
0x20: {  	[sflag:s8] =	ssyncset.s32 @!p0 $0xFFFFF086;
	s6 =	sadd.s32 @!p0 s3, s7;
	s7 =	simm.s32 @!p0 $0x108  }
0x21: {  	s3 =	sadd.s32 s3, s9;
	s6 =	sadd.s32 @!p0 $0x88, s6;
	s7 =	simm.s32 @p2 $0x1082  }
0x22: {  	[simem:s7], [sflag:s8] =	dma.local @!p0 [hbm:s6], $0xF7A  }
0x23: {  	s9 =	sor.u32 $0xD0000000, s2;
	s6 =	simm.s32 $0x108;
	_ =	swait.ge @!p0 [sflag:s8], $0x0  }
0x24: {  	s3 =	sadd.s32 $0x88, s3;
	s6 =	simm.s32 @!p1 $0x1082;
	[sflag:s4] =	ssyncset.s32 $0xFFFFF086  }
0x25: {  	[simem:s6], [sflag:s4] =	dma.local [hbm:s3], $0xF7A  }
0x26: {  	[smem:$0x3F9E] =	sst s1;
	(tag) =	ssettag s2;
	_ =	strace s9  }
0x27: {  	s1 =	sld [smem:$0x3FAE]  }
0x28: {  	s2 =	sld [smem:$0x3FAF]  }
0x29: {  	s4 =	sld [smem:$0x3FB1]  }
0x2a: {  	p0 =	seq.s32 s5, $0x0;
	s5 =	sld [smem:$0x3FB2]  }
0x2b: {  	s6 =	sld [smem:$0x3FB3]  }
0x2c: {  	s7 =	sld [smem:$0x3FB4]  }
0x2d: {  	s3 =	simm.s32 $0x108;
	s8 =	sld [smem:$0x3FB5]  }
0x2e: {  	s3 =	simm.s32 @!p0 $0x1082;
	s9 =	sld [smem:$0x3FB6]  }
0x2f: {  	lr =	sadd.s32 s0, s3;
	s0 =	sld [smem:$0x3FAD]  }
0x30: {  	s3 =	sld [smem:$0x3FB0]  }
0x31: {  	[smem:$0x3FB9] =	sst s10  }
0x32: {  	s10 =	sld [smem:$0x3FB7];
	_ =	sdelay $0x3  }
0x33: {  	p0 =	seq.s32 s10, $0x1;
	s10 =	sld [smem:$0x3FB9];
	_ =	sdelay $0x3  }
0x34: {  	[smem:$0x3FB9] =	sst s10  }
0x35: {  	s10 =	sld [smem:$0x3FB8];
	_ =	sdelay $0x3  }
0x36: {  	p1 =	seq.s32 s10, $0x1;
	s10 =	sld [smem:$0x3FB9];
	_ =	sdelay $0x3  }
0x37: {  	[smem:$0x3FB9] =	sst s10  }
0x38: {  	s10 =	sld [smem:$0x3FBA]  }
0x39: {  	_ = 	snop;
	(pc) =	sbr.ind lr, $3  }
0x3a: {  	_ = 	snop  }
0x3b: {  	_ = 	snop  }
0x3c: {  	p2 =	seq.s32 s10, $0x1;
	s10 =	sld [smem:$0x3FB9]  }
0x3d: {  	_ =	shalt  }
0x3e: {  	_ =	shalt  }
0x3f: {  	_ =	shalt  }
0x40: {  	_ =	shalt  }
0x41: {  	_ =	shalt  }
0x42: {  	_ =	shalt  }
0x43: {  	_ =	shalt  }
0x44: {  	_ =	shalt  }
0x45: {  	_ =	shalt  }
0x46: {  	_ =	shalt  }
0x47: {  	_ =	shalt  }
0x48: {  	_ =	shalt  }
0x49: {  	_ =	shalt  }
0x4a: {  	_ =	shalt  }
0x4b: {  	_ =	shalt  }
0x4c: {  	_ =	shalt  }
0x4d: {  	_ =	shalt  }
0x4e: {  	_ =	shalt  }
0x4f: {  	_ =	shalt  }
0x50: {  	_ =	shalt  }
0x51: {  	_ =	shalt  }
0x52: {  	_ =	shalt  }
0x53: {  	_ =	shalt  }
0x54: {  	_ =	shalt  }
0x55: {  	_ =	shalt  }
0x56: {  	_ =	shalt  }
0x57: {  	_ =	shalt  }
0x58: {  	_ =	shalt  }
0x59: {  	_ =	shalt  }
0x5a: {  	_ =	shalt  }
0x5b: {  	_ =	shalt  }
0x5c: {  	_ =	shalt  }
0x5d: {  	_ =	shalt  }
0x5e: {  	_ =	shalt  }
0x5f: {  	_ =	shalt  }
0x60: {  	_ =	shalt  }
0x61: {  	_ =	shalt  }
0x62: {  	_ =	shalt  }
0x63: {  	_ =	shalt  }
0x64: {  	_ =	shalt  }
0x65: {  	_ =	shalt  }
0x66: {  	_ =	shalt  }
0x67: {  	_ =	shalt  }
0x68: {  	_ =	shalt  }
0x69: {  	_ =	shalt  }
0x6a: {  	_ =	shalt  }
0x6b: {  	_ =	shalt  }
0x6c: {  	_ =	shalt  }
0x6d: {  	_ =	shalt  }
0x6e: {  	_ =	shalt  }
0x6f: {  	_ =	shalt  }
0x70: {  	_ =	shalt  }
0x71: {  	_ =	shalt  }
0x72: {  	_ =	shalt  }
0x73: {  	_ =	shalt  }
0x74: {  	_ =	shalt  }
0x75: {  	_ =	shalt  }
0x76: {  	_ =	shalt  }
0x77: {  	_ =	shalt  }
0x78: {  	_ =	shalt  }
0x79: {  	_ =	shalt  }
0x7a: {  	_ =	shalt  }
0x7b: {  	_ =	shalt  }
0x7c: {  	_ =	shalt  }
0x7d: {  	_ =	shalt  }
0x7e: {  	_ =	shalt  }
0x7f: {  	_ =	shalt  }
0x80: {  	_ =	shalt  }
0x81: {  	_ =	shalt  }
0x82: {  	_ =	shalt  }
0x83: {  	_ =	shalt  }
0x84: {  	_ =	shalt  }
0x85: {  	_ =	shalt  }
0x86: {  	_ =	shalt  }
0x87: {  	_ =	shalt  }
.Lfunc_end0:
.L_simem_size_0:
called_computation_lowered:
.L_overlay_start_0:
0x88: {  	s2 =	sld [smem:$0x3FD9]  }
0x89: {  	s3 =	sld [smem:$0x3FFE];
	_ =	sdelay $0x1  }
0x8a: {  	s1 =	srdreg.scid  }
0x8b: {  	s0 =	sand.u32 $0x1, s1  }
0x8c: {  	s15 =	sshll.u32 s0, $0xA;
	s2 =	sadd.s32 s3, s2  }
0x8d: {  	s2 =	sadd.s32 s2, s15  }
0x8e: {  	[smem:$0x3FC5] =	sst s2  }
0x8f: {  	_ = 	snop  }
0x90: {  	s2 =	sld [smem:$0x3FD0]  }
0x91: {  	s16 =	sld [smem:$0x3FC9]  }
0x92: {  	s4 =	sld [smem:$0x3FC8]  }
0x93: {  	s6 =	simm.s32 $0xA;
	s7 =	simm.s32 $0x10;
	s5 =	sld [smem:$0x3FC7]  }
0x94: {  	[smem:s7], [sflag:s6] =	dma.local [hbm:s2], $0x1  }
0x95: {  	_ =	swait.eq [sflag:s6], $0x1  }
0x96: {  	[sflag:s6] =	ssyncset.done $0x0  }
0x97: {  	s17 =	sld [smem:$0x10];
	[sflag:s6] =	ssyncadd.s32 $0xFFFFFFFF  }
0x98: {  	s18 =	sld [smem:$0x11];
	(tm) =	ssettm $0x1  }
0x99: {  	s19 =	sld [smem:$0x3FFB];
	_ =	sdelay $0x3  }
0x9a: {  	_ =	strace s19  }
0x9b: {  	s7 =	sld [smem:$0x3FFC];
	_ =	sdelay $0x3  }
0x9c: {  	_ =	strace s7  }
0x9d: {  	s7 =	sld [smem:$0x3FFD];
	_ =	sdelay $0x3  }
0x9e: {  	_ =	strace s7  }
0x9f: {  	_ =	strace $0x8FFFFFFF  }
0xa0: {  	s20 =	sld [smem:$0x3FDB];
	_ =	sdelay $0x1  }
0xa1: {  	s8 =	simm.s32 $_scs_section_size  }
0xa2: {  	s9 =	simm.s32 $_size__tile_overlayer_lowered;
	s10 =	simm.s32 $_tile_overlayer_lowered  }
0xa3: {  	s23 =	simm.s32 $0x1BFF;
	s22 =	sshll.u32 s10, $0x1;
	s7 =	sadd.s32 s8, s20  }
0xa4: {  	s11 =	simm.s32 $0x0;
	s21 =	sshll.u32 s9, $0x1;
	s9 =	sadd.s32 s22, s7  }
0xa5: {  	[timem:s11], [sflag:s23] =	dma.local [hbm:s9], s21  }
0xa6: {  	_ =	swait.ge [sflag:s23], s21  }
0xa7: {  	s8 =	ssub.s32 $0x0, s21;
	[sflag:s23] =	ssyncset.done $0x0  }
0xa8: {  	[sflag:s23] =	ssyncadd.s32 s8;
	_ =	sdelay $0x1  }
0xa9: {  	s24 =	simm.s32 $0x1B8B  }
0xaa: {  	_ =	swait.ge [sflag:s24], $0x1  }
0xab: {  	[sflag:s24] =	ssyncset.done $0x0  }
0xac: {  	s25 =	simm.s32 $0x1B8E;
	[sflag:s24] =	ssyncadd.s32 $0xFFFFFFFF  }
0xad: {  	s26 =	simm.s32 $execute0_lowered;
	[smem:$0x3FD2] =	sst s25  }
0xae: {  	s8 =	sshll.u32 s26, $0x1;
	_ =	strace $0x80000046;
	[dreg:$0x1] =	wrdreg $0xFFFFFFFF  }
0xaf: {  	s28 =	simm.s32 $_size_execute0_lowered;
	s7 =	sadd.s32 s7, s8;
	[dreg:$0x0] =	wrdreg $0x0  }
0xb0: {  	s8 =	sshll.u32 s28, $0x1;
	[dreg:$0x2] =	wrdreg s7  }
0xb1: {  	[dreg:$0x3] =	wrdreg s8  }
0xb2: {  	[dreg:$0x4] =	wrdreg $0xC0  }
0xb3: {  	_ =	task [dreg:s11], $0x5FFFF  }
0xb4: {  	[dreg:$0x1] =	wrdreg $0xFFFFFFFF  }
0xb5: {  	[dreg:$0x0] =	wrdreg $0x60  }
0xb6: {  	[dreg:$0x2] =	wrdreg s16  }
0xb7: {  	[dreg:$0x3] =	wrdreg s4  }
0xb8: {  	[dreg:$0x4] =	wrdreg s5  }
0xb9: {  	[dreg:$0x5] =	wrdreg s17  }
0xba: {  	[dreg:$0x6] =	wrdreg s18  }
0xbb: {  	[dreg:$0x7] =	wrdreg $0x9  }
0xbc: {  	_ =	task.clear_ibuf [dreg:s11], $0x8FFFF;
	_ =	strace $0x90000046  }
0xbd: {  	s29 =	simm.s32 $0x9;
	_ =	strace $0x80000048  }
0xbe: {  	_ =	swait.ge [sflag:s29], $0x1  }
0xbf: {  	[sflag:s29] =	ssyncadd.s32 $0xFFFFFFFF  }
0xc0: {  	_ =	strace $0x90000048  }
0xc1: {  	_ =	sfence  }
0xc2: {  	s30 =	sld [smem:$0x0];
	_ =	sdelay $0x2  }
0xc3: {  	s31 =	sshll.u32 s1, $0xD;
	s1 =	sshrl.u32 s1, $0x2  }
0xc4: {  	s3 =	sand.u32 $0x4000, s31;
	s1 =	sadd.s32 s1, s30  }
0xc5: {  	s0 =	sor.u32 s3, s0;
	s1 =	sshll.u32 s1, $0x11  }
0xc6: {  	s0 =	sor.u32 s1, s0  }
0xc7: {  	s0 =	sadd.s32 $0x8F2B, s0  }
0xc8: {  	[sflag:s0] =	ssyncadd.remote.s32 $0x1  }
0xc9: {  	_ =	sfence.sel $0xFFFF  }
0xca: {  	[dreg:$0x0] =	wrdreg $0xFFFFFFFF;
	(pc) =	sbr.abs _section_cstart, $3  }
0xcb: {  	[dreg:$0x1] =	wrdreg $0xFFFFFFFF  }
0xcc: {  	_ =	task.clear_ibuf [dreg:s11], $0x2FFFF;
	_ =	strace $0x9FFFFFFF  }
0xcd: {  	(tm) =	ssettm $0x7FFFFFFF  }
tec
execute0_lowered:
.L_overlay_start_1:
0x0: {  	(tag) =	ssettag $0x1  }
0x1: {  	s3 =	rddreg [dreg:$0x2]  }
0x2: {  	s0 =	srdreg.scid;
	s2 =	rddreg [dreg:$0x3]  }
0x3: {  	s4 =	stileid.u32;
	s5 =	rddreg [dreg:$0x4];
	s7 =	simm.s32 $0x0  }
0x4: {  	s15 =	simm.s32 $0x7;
	s16 =	simm.s32 $0x18700;
	s17 =	simm.s32 $0x1A700  }
0x5: {  	s18 =	simm.s32 $0x19700;
	s19 =	simm.s32 $0x1B700;
	s20 =	simm.s32 $0x1  }
0x6: {  	s21 =	simm.s32 $0x3;
	s22 =	simm.s32 $0x1C700;
	s23 =	simm.s32 $0x2  }
0x7: {  	s24 =	simm.s32 $0x4;
	s25 =	simm.s32 $0x1CF00;
	s0 =	sand.u32 $0x1, s0  }
0x8: {  	s26 =	simm.s32 $0x5;
	s28 =	simm.s32 $0x6;
	s1 =	sshll.u32 s0, $0x4  }
0x9: {  	s30 =	simm.s32 $0x0;
	[smem:$0x7FF] =	sst s7;
	s1 =	sor.u32 s4, s1  }
0xa: {  	s0 =	ssub.s32 $0x2, s0;
	_ =	strace $0x80000047;
	s6 =	smul.u32 $0x30D40, s1  }
0xb: {  	s10 =	sshrl.u32 s0, $0x1;
	s9 =	smul.u32 $0x186A0, s1;
	s1 =	sshll.u32 s1, $0x1  }
0xc: {  	s0 =	ssub.s32 s0, s10;
	s13 =	sadd.s32 s2, s1;
	s29 =	sshrl.u32 s6, $0x3  }
0xd: {  	s14 =	smax.u32 s0, $0x1;
	s31 =	sshrl.u32 s9, $0x3;
	s8 =	sadd.s32 s3, s29  }
0xe: {  	s11 =	sadd.s32 $0x1F40, s6;
	s12 =	sadd.s32 s5, s31;
	s10 =	sadd.s32 $0xC3500, s8  }
.LBB2_1:
0xf: {  	s0 =	rddreg [dreg:$0x0]  }
0x10: {  	[tilespmem:s7], [sflag:$0x7] =	stream.linear.gather [hbm4b:s0+s7], $0x18700, $0x38;
	[tilespmem:$0x1D780] =	vst v63  }
0x11: {  	_ =	swait.ge [sflag:s15], $0x18700  }
0x12: {  	[sflag:s15] =	ssyncset.done $0x0  }
0x13: {  	[sflag:s15] =	ssyncadd.s32 $0xFFFE7900  }
0x14: {  	[tilespmem:s16], [sflag:$0x1] =	stream.linear.gather [hbm4b:s8+s7], $0xFA0, $0x38;
	[tilespmem:$0x1D780] =	vst v63  }
0x15: {  	s31 =	simm.s32 $0x0  }
0x16: {  	[tilespmem:s17], [sflag:$0x3] =	stream.linear.gather [hbm4b:s10+s7], $0xFA0, $0x38;
	[tilespmem:$0x1D780] =	vst v63  }
.LBB2_2:
0x17: {  	s4 =	sshllo.u32 s31, $0x1  }
0x18: {  	s0 =	smul.u32 $0xFA0, s4;
	_ =	sdelay $0x1  }
0x19: {  	s0 =	sadd.s32 s6, s0  }
0x1a: {  	s0 =	sshrl.u32 s0, $0x3  }
0x1b: {  	s0 =	sadd.s32 s3, s0  }
0x1c: {  	[tilespmem:s18], [sflag:$0x2] =	stream.linear.gather [hbm4b:s0+s7], $0xFA0, $0x38;
	[tilespmem:$0x1D780] =	vst v63  }
0x1d: {  	s0 =	sadd.s32 $0xC3500, s0  }
0x1e: {  	[tilespmem:s19], [sflag:$0x4] =	stream.linear.gather [hbm4b:s0+s7], $0xFA0, $0x38;
	[tilespmem:$0x1D780] =	vst v63  }
0x1f: {  	_ =	swait.ge [sflag:s20], $0xFA0  }
0x20: {  	[sflag:s20] =	ssyncset.done $0x0  }
0x21: {  	[sflag:s20] =	ssyncadd.s32 $0xFFFFF060  }
0x22: {  	_ =	swait.ge [sflag:s21], $0xFA0  }
0x23: {  	p0 =	seq.s32 s31, $0x0;
	[sflag:s21] =	ssyncset.done $0x0  }
0x24: {  	s0 =	simm.s32 @!p0 $0x5;
	[sflag:s21] =	ssyncadd.s32 $0xFFFFF060  }
0x25: {  	_ =	swait.ge @!p0 [sflag:s0], $0x7D0  }
0x26: {  	[sflag:s0] =	ssyncset.done @!p0 $0x0  }
0x27: {  	s2 =	simm.s32 $0x18740;
	[sflag:s0] =	ssyncadd.s32 @!p0 $0xFFFFF830  }
0x28: {  	s1 =	simm.s32 $0x1A740;
	v0 =	vld [tilespmem:s2+$0x20]  }
0x29: {  	v1 =	vld [tilespmem:s1+$0x20]  }
0x2a: {  	v2 =	vld [tilespmem:s2+$0x30]  }
0x2b: {  	v3 =	vld [tilespmem:s1+$0x30]  }
0x2c: {  	v4 =	vld [tilespmem:s1+$0xFFFFFFC0]  }
0x2d: {  	v5 =	vld [tilespmem:s2+$0xFFFFFFD0]  }
0x2e: {  	v6 =	vld [tilespmem:s1+$0xFFFFFFD0]  }
0x2f: {  	v7 =	vld [tilespmem:s2+$0xFFFFFFE0]  }
0x30: {  	v9 =	vld [tilespmem:s1+$0xFFFFFFE0]  }
0x31: {  	v10 =	vld [tilespmem:s2+$0xFFFFFFF0]  }
0x32: {  	v11 =	vld [tilespmem:s1+$0xFFFFFFF0]  }
0x33: {  	v12 =	vld [tilespmem:s2+$0x0]  }
0x34: {  	v13 =	vld [tilespmem:s1+$0x0]  }
0x35: {  	v14 =	vld [tilespmem:s2+$0x10]  }
0x36: {  	v16 =	vld [tilespmem:s2+$0xFFFFFFC0]  }
0x37: {  	v8 =	vld.idx.msk [tilespmem:v0+s7+$0x0], $0xffff  }
0x38: {  	v1 =	vld.idx.msk [tilespmem:v1+s7+$0x0], $0xffff  }
0x39: {  	v2 =	vld.idx.msk [tilespmem:v2+s7+$0x0], $0xffff  }
0x3a: {  	v3 =	vld.idx.msk [tilespmem:v3+s7+$0x0], $0xffff  }
0x3b: {  	v7 =	vld.idx.msk [tilespmem:v7+s7+$0x0], $0xffff  }
0x3c: {  	v18 =	vld.idx.msk [tilespmem:v9+s7+$0x0], $0xffff  }
0x3d: {  	v15 =	vld [tilespmem:s1+$0x10]  }
0x3e: {  	v0 =	vld.idx.msk [tilespmem:v4+s7+$0x0], $0xffff  }
0x3f: {  	v5 =	vld.idx.msk [tilespmem:v5+s7+$0x0], $0xffff;
	v4 =	vadd.bf16 v1, v8  }
0x40: {  	v17 =	vld.idx.msk [tilespmem:v6+s7+$0x0], $0xffff;
	v1 =	vsub.bf16 v8, v1;
	v6 =	vsub.bf16 v2, v3  }
0x41: {  	v9 =	vld.idx.msk [tilespmem:v11+s7+$0x0], $0xffff;
	v2 =	vadd.bf16 v3, v2;
	v11 =	vsub.bf16 v7, v18  }
0x42: {  	v1 =	vand.u32 $0x7FFF7FFF, v1;
	v3 =	vshll.u32 v4, $0x10;
	v4 =	vand.u32 $0x7FFF7FFF, v6  }
0x43: {  	v8 =	vld.idx.msk [tilespmem:v16+s7+$0x0], $0xffff;
	v2 =	vshll.u32 v2, $0x10;
	v1 =	vand.u32 $0xFFFF0000, v1;
	v4 =	vand.u32 $0xFFFF0000, v4  }
0x44: {  	v6 =	vld.idx.msk [tilespmem:v10+s7+$0x0], $0xffff;
	v1 =	vsub.f32 v3, v1;
	v2 =	vsub.f32 v2, v4  }
0x45: {  	v10 =	vadd.bf16 v18, v7;
	v7 =	vld.idx.msk [tilespmem:v15+s7+$0x0], $0xffff;
	v3 =	vsub.bf16 v5, v17  }
0x46: {  	v63 =	vadd.bf16 v17, v5;
	v4 =	vld.idx.msk [tilespmem:v12+s7+$0x0], $0xffff;
	v1 =	vmax.f32 v1, $0.0e+00;
	v2 =	vmax.f32 v2, $0.0e+00  }
0x47: {  	s0 =	simm.s32 $0x1C720;
	v5 =	vld.idx.msk [tilespmem:v13+s7+$0x0], $0xffff;
	v1 =	vpack.i.f32.bf16 v2, v1;
	v2 =	vand.u32 $0x7FFF7FFF, v3  }
0x48: {  	s29 =	simm.s32 $0x187C0;
	s2 =	simm.s32 $0x0;
	v3 =	vld.idx.msk [tilespmem:v14+s7+$0x0], $0xffff;
	[tilespmem:s0+$0x10] =	vst v1;
	v1 =	vand.u32 $0xFFFF0000, v2;
	v2 =	vshll.u32 v63, $0x10  }
.LBB2_3:
0x49: {  	v12 =	vld [tilespmem:s29+$0x20];
	v11 =	vand.u32 $0x7FFF7FFF, v11;
	v13 =	vsub.bf16 v6, v9;
	v6 =	vadd.bf16 v9, v6;
	s1 =	sadd.s32 $0x80, s1  }
0x4a: {  	v14 =	vsub.bf16 v8, v0;
	v0 =	vadd.bf16 v0, v8;
	v9 =	vld [tilespmem:s1+$0x20];
	v8 =	vand.u32 $0xFFFF0000, v11  }
0x4b: {  	v10 =	vshll.u32 v10, $0x10;
	v11 =	vld [tilespmem:s29+$0x30];
	v13 =	vand.u32 $0x7FFF7FFF, v13;
	v6 =	vshll.u32 v6, $0x10  }
0x4c: {  	s2 =	sadd.s32 $0x80, s2;
	v14 =	vand.u32 $0x7FFF7FFF, v14;
	v16 =	vsub.bf16 v4, v5;
	v4 =	vadd.bf16 v5, v4;
	v15 =	vld [tilespmem:s1+$0x30]  }
0x4d: {  	p1 =	slt.u32 s2, $0xF00;
	v0 =	vshll.u32 v0, $0x10;
	v14 =	vand.u32 $0xFFFF0000, v14;
	v13 =	vand.u32 $0xFFFF0000, v13;
	v5 =	vld [tilespmem:s1+$0xFFFFFFC0]  }
0x4e: {  	v16 =	vand.u32 $0x7FFF7FFF, v16;
	v18 =	vsub.bf16 v3, v7;
	v3 =	vadd.bf16 v7, v3;
	v17 =	vld [tilespmem:s29+$0xFFFFFFD0]  }
0x4f: {  	v0 =	vsub.f32 v0, v14;
	v4 =	vshll.u32 v4, $0x10;
	v14 =	vand.u32 $0xFFFF0000, v16;
	v7 =	vld [tilespmem:s1+$0xFFFFFFD0]  }
0x50: {  	v1 =	vsub.f32 v2, v1;
	v2 =	vand.u32 $0x7FFF7FFF, v18;
	v3 =	vshll.u32 v3, $0x10;
	v16 =	vld [tilespmem:s29+$0xFFFFFFE0]  }
0x51: {  	v8 =	vsub.f32 v10, v8;
	v6 =	vsub.f32 v6, v13;
	v2 =	vand.u32 $0xFFFF0000, v2;
	v12 =	vld.idx.msk [tilespmem:v12+s7+$0x0], $0xffff  }
0x52: {  	v0 =	vmax.f32 v0, $0.0e+00;
	v4 =	vsub.f32 v4, v14;
	v2 =	vsub.f32 v3, v2;
	v9 =	vld.idx.msk [tilespmem:v9+s7+$0x0], $0xffff  }
0x53: {  	v1 =	vmax.f32 v1, $0.0e+00;
	v8 =	vmax.f32 v8, $0.0e+00;
	v6 =	vmax.f32 v6, $0.0e+00;
	v3 =	vld.idx.msk [tilespmem:v11+s7+$0x0], $0xffff  }
0x54: {  	v0 =	vpack.i.f32.bf16 v1, v0;
	v1 =	vmax.f32 v4, $0.0e+00;
	v2 =	vmax.f32 v2, $0.0e+00;
	v10 =	vld.idx.msk [tilespmem:v15+s7+$0x0], $0xffff  }
0x55: {  	v1 =	vpack.i.f32.bf16 v2, v1;
	v4 =	vld [tilespmem:s1+$0xFFFFFFE0];
	[tilespmem:s0+$0xFFFFFFE0] =	vst v0;
	v0 =	vpack.i.f32.bf16 v6, v8  }
0x56: {  	v2 =	vld [tilespmem:s29+$0xFFFFFFF0];
	[tilespmem:s0+$0xFFFFFFF0] =	vst v0  }
0x57: {  	v8 =	vld [tilespmem:s1+$0xFFFFFFF0];
	[tilespmem:s0+$0x0] =	vst v1  }
0x58: {  	v1 =	vld [tilespmem:s29+$0x0]  }
0x59: {  	v0 =	vadd.bf16 v9, v12;
	v11 =	vld [tilespmem:s1+$0x0]  }
0x5a: {  	v6 =	vsub.bf16 v12, v9;
	v9 =	vsub.bf16 v3, v10;
	v13 =	vld [tilespmem:s29+$0x10]  }
0x5b: {  	v3 =	vadd.bf16 v10, v3;
	v12 =	vld [tilespmem:s1+$0x10]  }
0x5c: {  	v6 =	vand.u32 $0x7FFF7FFF, v6;
	v14 =	vshll.u32 v0, $0x10;
	v9 =	vand.u32 $0x7FFF7FFF, v9;
	v10 =	vld [tilespmem:s29+$0xFFFFFFC0]  }
0x5d: {  	v3 =	vshll.u32 v3, $0x10;
	v0 =	vld.idx.msk [tilespmem:v5+s7+$0x0], $0xffff;
	v5 =	vand.u32 $0xFFFF0000, v6;
	v6 =	vand.u32 $0xFFFF0000, v9  }
0x5e: {  	v15 =	vld.idx.msk [tilespmem:v17+s7+$0x0], $0xffff;
	v5 =	vsub.f32 v14, v5;
	v3 =	vsub.f32 v3, v6  }
0x5f: {  	v7 =	vld.idx.msk [tilespmem:v7+s7+$0x0], $0xffff  }
0x60: {  	v14 =	vld.idx.msk [tilespmem:v16+s7+$0x0], $0xffff;
	v5 =	vmax.f32 v5, $0.0e+00;
	v3 =	vmax.f32 v3, $0.0e+00  }
0x61: {  	s0 =	sadd.s32 $0x40, s0;
	v16 =	vld.idx.msk [tilespmem:v4+s7+$0x0], $0xffff;
	v3 =	vpack.i.f32.bf16 v3, v5  }
0x62: {  	v6 =	vld.idx.msk [tilespmem:v2+s7+$0x0], $0xffff;
	[tilespmem:s0+$0x10] =	vst v3  }
0x63: {  	v9 =	vld.idx.msk [tilespmem:v8+s7+$0x0], $0xffff  }
.Ltmp0:
0x64: {  	v8 =	vld.idx.msk [tilespmem:v10+s7+$0x0], $0xffff;
	(pc) =	sbr.rel @p1 .LBB2_3-.Ltmp0, $4  }
0x65: {  	v2 =	vsub.bf16 v15, v7;
	v7 =	vadd.bf16 v7, v15;
	v4 =	vld.idx.msk [tilespmem:v1+s7+$0x0], $0xffff  }
0x66: {  	v5 =	vld.idx.msk [tilespmem:v11+s7+$0x0], $0xffff  }
0x67: {  	v1 =	vand.u32 $0x7FFF7FFF, v2;
	v11 =	vsub.bf16 v14, v16;
	v10 =	vadd.bf16 v16, v14;
	v3 =	vld.idx.msk [tilespmem:v13+s7+$0x0], $0xffff  }
0x68: {  	s29 =	sadd.s32 $0x80, s29;
	v2 =	vshll.u32 v7, $0x10;
	v1 =	vand.u32 $0xFFFF0000, v1;
	v7 =	vld.idx.msk [tilespmem:v12+s7+$0x0], $0xffff  }
0x69: {  	v12 =	vsub.bf16 v6, v9  }
0x6a: {  	v11 =	vand.u32 $0x7FFF7FFF, v11;
	v6 =	vadd.bf16 v9, v6;
	v9 =	vsub.bf16 v8, v0  }
0x6b: {  	v0 =	vadd.bf16 v0, v8;
	v10 =	vshll.u32 v10, $0x10;
	v1 =	vsub.f32 v2, v1  }
0x6c: {  	v8 =	vand.u32 $0xFFFF0000, v11;
	v11 =	vand.u32 $0x7FFF7FFF, v12;
	v6 =	vshll.u32 v6, $0x10  }
0x6d: {  	v9 =	vand.u32 $0x7FFF7FFF, v9;
	v61 =	vsub.bf16 v4, v5;
	v4 =	vadd.bf16 v5, v4  }
0x6e: {  	v0 =	vshll.u32 v0, $0x10;
	v1 =	vmax.f32 v1, $0.0e+00;
	v5 =	vand.u32 $0xFFFF0000, v9  }
0x6f: {  	v9 =	vand.u32 $0xFFFF0000, v11;
	v11 =	vsub.bf16 v3, v7;
	v12 =	vand.u32 $0x7FFF7FFF, v61  }
0x70: {  	v3 =	vadd.bf16 v7, v3;
	v0 =	vsub.f32 v0, v5;
	v4 =	vshll.u32 v4, $0x10  }
0x71: {  	v7 =	vsub.f32 v10, v8;
	v6 =	vsub.f32 v6, v9;
	v2 =	vand.u32 $0x7FFF7FFF, v11  }
0x72: {  	v5 =	vand.u32 $0xFFFF0000, v12;
	v3 =	vshll.u32 v3, $0x10;
	v2 =	vand.u32 $0xFFFF0000, v2  }
0x73: {  	v0 =	vmax.f32 v0, $0.0e+00;
	v4 =	vsub.f32 v4, v5;
	v2 =	vsub.f32 v3, v2  }
0x74: {  	v5 =	vmax.f32 v6, $0.0e+00;
	v0 =	vpack.i.f32.bf16 v1, v0;
	v3 =	vmax.f32 v7, $0.0e+00  }
0x75: {  	v1 =	vmax.f32 v4, $0.0e+00;
	[tilespmem:s0+$0xFFFFFFE0] =	vst v0;
	v0 =	vpack.i.f32.bf16 v5, v3;
	v2 =	vmax.f32 v2, $0.0e+00  }
0x76: {  	[tilespmem:s0+$0xFFFFFFF0] =	vst v0;
	v1 =	vpack.i.f32.bf16 v2, v1  }
0x77: {  	[tilespmem:s0+$0x0] =	vst v1  }
0x78: {  	v0 =	vld [tilespmem:$0x19680]  }
0x79: {  	v1 =	vld [tilespmem:$0x1B680]  }
0x7a: {  	v2 =	vld [tilespmem:$0x19690]  }
0x7b: {  	v3 =	vld [tilespmem:$0x1B690];
	_ =	sdelay $0x4  }
0x7c: {  	v0 =	vld.idx.msk [tilespmem:v0+s7+$0x0], $0xffff  }
0x7d: {  	v1 =	vld.idx.msk [tilespmem:v1+s7+$0x0], $0xffff  }
0x7e: {  	v2 =	vld.idx.msk [tilespmem:v2+s7+$0x0], $0xffff  }
0x7f: {  	v3 =	vld.idx.msk [tilespmem:v3+s7+$0x0], $0xffff;
	_ =	sdelay $0x3  }
0x80: {  	v4 =	vsub.bf16 v0, v1  }
0x81: {  	v5 =	vsub.bf16 v2, v3;
	v0 =	vadd.bf16 v1, v0  }
0x82: {  	v1 =	vadd.bf16 v3, v2  }
0x83: {  	v4 =	vand.u32 $0x7FFF7FFF, v4;
	v3 =	vand.u32 $0x7FFF7FFF, v5;
	v0 =	vshll.u32 v0, $0x10  }
0x84: {  	v1 =	vshll.u32 v1, $0x10;
	v2 =	vand.u32 $0xFFFF0000, v4;
	v3 =	vand.u32 $0xFFFF0000, v3  }
0x85: {  	s1 =	smul.u32 $0xFA0, s31;
	v0 =	vsub.f32 v0, v2;
	v1 =	vsub.f32 v1, v3;
	_ =	sdelay $0x1  }
0x86: {  	s0 =	sadd.s32 s9, s1;
	v0 =	vmax.f32 v0, $0.0e+00;
	v1 =	vmax.f32 v1, $0.0e+00  }
0x87: {  	p1 =	seq.s32 s31, $0x18;
	s0 =	sshrl.u32 s0, $0x3;
	v0 =	vpack.i.f32.bf16 v1, v0  }
0x88: {  	s1 =	smul.u32 @!p1 $0x1F40, s31;
	s0 =	sadd.s32 s5, s0;
	[tilespmem:$0x1CEC0] =	vst v0  }
0x89: {  	[hbm4b:s0+s7] =	stream.linear.scatter [tilespmem:s22], [sflag:$0x5], $0x7D0, $0x38;
	[tilespmem:$0x1D780] =	vst v63  }
0x8a: {  	s0 =	sadd.s32 @!p1 s1, s11  }
0x8b: {  	s0 =	sshrl.u32 @!p1 s0, $0x3  }
0x8c: {  	s2 =	simm.s32 @!p1 $0x18700;
	s1 =	simm.s32 @!p1 $0x0;
	s0 =	sadd.s32 @!p1 s3, s0  }
0x8d: {  	[tilespmem:s2], [sflag:$0x1] =	stream.linear.gather @!p1 [hbm4b:s0+s1], $0xFA0, $0x38;
	[tilespmem:$0x1D780] =	vst v63  }
0x8e: {  	s0 =	sadd.s32 @!p1 $0xC3500, s0;
	s2 =	simm.s32 @!p1 $0x1A700  }
0x8f: {  	[tilespmem:s2], [sflag:$0x3] =	stream.linear.gather @!p1 [hbm4b:s0+s1], $0xFA0, $0x38;
	[tilespmem:$0x1D780] =	vst v63  }
0x90: {  	_ =	swait.ge [sflag:s23], $0xFA0  }
0x91: {  	[sflag:s23] =	ssyncset.done $0x0  }
0x92: {  	[sflag:s23] =	ssyncadd.s32 $0xFFFFF060  }
0x93: {  	_ =	swait.ge [sflag:s24], $0xFA0  }
0x94: {  	[sflag:s24] =	ssyncset.done $0x0  }
0x95: {  	s0 =	simm.s32 @!p0 $0x6;
	[sflag:s24] =	ssyncadd.s32 $0xFFFFF060  }
0x96: {  	_ =	swait.ge @!p0 [sflag:s0], $0x7D0  }
0x97: {  	[sflag:s0] =	ssyncset.done @!p0 $0x0  }
0x98: {  	s2 =	simm.s32 $0x19740;
	[sflag:s0] =	ssyncadd.s32 @!p0 $0xFFFFF830  }
0x99: {  	s1 =	simm.s32 $0x1B740;
	v0 =	vld [tilespmem:s2+$0x20]  }
0x9a: {  	v1 =	vld [tilespmem:s1+$0x20]  }
0x9b: {  	v2 =	vld [tilespmem:s2+$0x30]  }
0x9c: {  	v3 =	vld [tilespmem:s1+$0x30]  }
0x9d: {  	v4 =	vld [tilespmem:s1+$0xFFFFFFC0]  }
0x9e: {  	v5 =	vld [tilespmem:s2+$0xFFFFFFD0]  }
0x9f: {  	v6 =	vld [tilespmem:s1+$0xFFFFFFD0]  }
0xa0: {  	v7 =	vld [tilespmem:s2+$0xFFFFFFE0]  }
0xa1: {  	v9 =	vld [tilespmem:s1+$0xFFFFFFE0]  }
0xa2: {  	v10 =	vld [tilespmem:s2+$0xFFFFFFF0]  }
0xa3: {  	v11 =	vld [tilespmem:s1+$0xFFFFFFF0]  }
0xa4: {  	v62 =	vld [tilespmem:s2+$0x0]  }
0xa5: {  	v13 =	vld [tilespmem:s1+$0x0]  }
0xa6: {  	v14 =	vld [tilespmem:s2+$0x10]  }
0xa7: {  	v16 =	vld [tilespmem:s2+$0xFFFFFFC0]  }
0xa8: {  	v8 =	vld.idx.msk [tilespmem:v0+s7+$0x0], $0xffff  }
0xa9: {  	v1 =	vld.idx.msk [tilespmem:v1+s7+$0x0], $0xffff  }
0xaa: {  	v2 =	vld.idx.msk [tilespmem:v2+s7+$0x0], $0xffff  }
0xab: {  	v3 =	vld.idx.msk [tilespmem:v3+s7+$0x0], $0xffff  }
0xac: {  	v7 =	vld.idx.msk [tilespmem:v7+s7+$0x0], $0xffff  }
0xad: {  	v18 =	vld.idx.msk [tilespmem:v9+s7+$0x0], $0xffff  }
0xae: {  	v15 =	vld [tilespmem:s1+$0x10]  }
0xaf: {  	v0 =	vld.idx.msk [tilespmem:v4+s7+$0x0], $0xffff  }
0xb0: {  	v5 =	vld.idx.msk [tilespmem:v5+s7+$0x0], $0xffff;
	v4 =	vadd.bf16 v1, v8  }
0xb1: {  	v17 =	vld.idx.msk [tilespmem:v6+s7+$0x0], $0xffff;
	v1 =	vsub.bf16 v8, v1;
	v6 =	vsub.bf16 v2, v3  }
0xb2: {  	v9 =	vld.idx.msk [tilespmem:v11+s7+$0x0], $0xffff;
	v2 =	vadd.bf16 v3, v2;
	v11 =	vsub.bf16 v7, v18  }
0xb3: {  	v1 =	vand.u32 $0x7FFF7FFF, v1;
	v3 =	vshll.u32 v4, $0x10;
	v4 =	vand.u32 $0x7FFF7FFF, v6  }
0xb4: {  	v8 =	vld.idx.msk [tilespmem:v16+s7+$0x0], $0xffff;
	v2 =	vshll.u32 v2, $0x10;
	v1 =	vand.u32 $0xFFFF0000, v1;
	v4 =	vand.u32 $0xFFFF0000, v4  }
0xb5: {  	v6 =	vld.idx.msk [tilespmem:v10+s7+$0x0], $0xffff;
	v1 =	vsub.f32 v3, v1;
	v2 =	vsub.f32 v2, v4  }
0xb6: {  	v10 =	vadd.bf16 v18, v7;
	v7 =	vld.idx.msk [tilespmem:v15+s7+$0x0], $0xffff;
	v3 =	vsub.bf16 v5, v17  }
0xb7: {  	v63 =	vadd.bf16 v17, v5;
	v4 =	vld.idx.msk [tilespmem:v62+s7+$0x0], $0xffff;
	v1 =	vmax.f32 v1, $0.0e+00;
	v2 =	vmax.f32 v2, $0.0e+00  }
0xb8: {  	s0 =	simm.s32 $0x1CF20;
	v5 =	vld.idx.msk [tilespmem:v13+s7+$0x0], $0xffff;
	v1 =	vpack.i.f32.bf16 v2, v1;
	v2 =	vand.u32 $0x7FFF7FFF, v3  }
0xb9: {  	s29 =	simm.s32 $0x197C0;
	s2 =	simm.s32 $0x0;
	v3 =	vld.idx.msk [tilespmem:v14+s7+$0x0], $0xffff;
	[tilespmem:s0+$0x10] =	vst v1;
	v1 =	vand.u32 $0xFFFF0000, v2;
	v2 =	vshll.u32 v63, $0x10  }
.LBB2_5:
0xba: {  	v12 =	vld [tilespmem:s29+$0x20];
	v11 =	vand.u32 $0x7FFF7FFF, v11;
	v13 =	vsub.bf16 v6, v9;
	v6 =	vadd.bf16 v9, v6;
	s1 =	sadd.s32 $0x80, s1  }
0xbb: {  	v14 =	vsub.bf16 v8, v0;
	v0 =	vadd.bf16 v0, v8;
	v9 =	vld [tilespmem:s1+$0x20];
	v8 =	vand.u32 $0xFFFF0000, v11  }
0xbc: {  	v10 =	vshll.u32 v10, $0x10;
	v11 =	vld [tilespmem:s29+$0x30];
	v13 =	vand.u32 $0x7FFF7FFF, v13;
	v6 =	vshll.u32 v6, $0x10  }
0xbd: {  	s2 =	sadd.s32 $0x80, s2;
	v14 =	vand.u32 $0x7FFF7FFF, v14;
	v16 =	vsub.bf16 v4, v5;
	v4 =	vadd.bf16 v5, v4;
	v15 =	vld [tilespmem:s1+$0x30]  }
0xbe: {  	p0 =	slt.u32 s2, $0xF00;
	v0 =	vshll.u32 v0, $0x10;
	v14 =	vand.u32 $0xFFFF0000, v14;
	v13 =	vand.u32 $0xFFFF0000, v13;
	v5 =	vld [tilespmem:s1+$0xFFFFFFC0]  }
0xbf: {  	v16 =	vand.u32 $0x7FFF7FFF, v16;
	v18 =	vsub.bf16 v3, v7;
	v3 =	vadd.bf16 v7, v3;
	v17 =	vld [tilespmem:s29+$0xFFFFFFD0]  }
0xc0: {  	v0 =	vsub.f32 v0, v14;
	v4 =	vshll.u32 v4, $0x10;
	v14 =	vand.u32 $0xFFFF0000, v16;
	v7 =	vld [tilespmem:s1+$0xFFFFFFD0]  }
0xc1: {  	v1 =	vsub.f32 v2, v1;
	v2 =	vand.u32 $0x7FFF7FFF, v18;
	v3 =	vshll.u32 v3, $0x10;
	v16 =	vld [tilespmem:s29+$0xFFFFFFE0]  }
0xc2: {  	v8 =	vsub.f32 v10, v8;
	v6 =	vsub.f32 v6, v13;
	v2 =	vand.u32 $0xFFFF0000, v2;
	v12 =	vld.idx.msk [tilespmem:v12+s7+$0x0], $0xffff  }
0xc3: {  	v0 =	vmax.f32 v0, $0.0e+00;
	v4 =	vsub.f32 v4, v14;
	v2 =	vsub.f32 v3, v2;
	v9 =	vld.idx.msk [tilespmem:v9+s7+$0x0], $0xffff  }
0xc4: {  	v1 =	vmax.f32 v1, $0.0e+00;
	v8 =	vmax.f32 v8, $0.0e+00;
	v6 =	vmax.f32 v6, $0.0e+00;
	v3 =	vld.idx.msk [tilespmem:v11+s7+$0x0], $0xffff  }
0xc5: {  	v0 =	vpack.i.f32.bf16 v1, v0;
	v1 =	vmax.f32 v4, $0.0e+00;
	v2 =	vmax.f32 v2, $0.0e+00;
	v10 =	vld.idx.msk [tilespmem:v15+s7+$0x0], $0xffff  }
0xc6: {  	v1 =	vpack.i.f32.bf16 v2, v1;
	v4 =	vld [tilespmem:s1+$0xFFFFFFE0];
	[tilespmem:s0+$0xFFFFFFE0] =	vst v0;
	v0 =	vpack.i.f32.bf16 v6, v8  }
0xc7: {  	v2 =	vld [tilespmem:s29+$0xFFFFFFF0];
	[tilespmem:s0+$0xFFFFFFF0] =	vst v0  }
0xc8: {  	v8 =	vld [tilespmem:s1+$0xFFFFFFF0];
	[tilespmem:s0+$0x0] =	vst v1  }
0xc9: {  	v1 =	vld [tilespmem:s29+$0x0]  }
0xca: {  	v0 =	vadd.bf16 v9, v12;
	v11 =	vld [tilespmem:s1+$0x0]  }
0xcb: {  	v6 =	vsub.bf16 v12, v9;
	v9 =	vsub.bf16 v3, v10;
	v13 =	vld [tilespmem:s29+$0x10]  }
0xcc: {  	v3 =	vadd.bf16 v10, v3;
	v12 =	vld [tilespmem:s1+$0x10]  }
0xcd: {  	v6 =	vand.u32 $0x7FFF7FFF, v6;
	v14 =	vshll.u32 v0, $0x10;
	v9 =	vand.u32 $0x7FFF7FFF, v9;
	v10 =	vld [tilespmem:s29+$0xFFFFFFC0]  }
0xce: {  	v3 =	vshll.u32 v3, $0x10;
	v0 =	vld.idx.msk [tilespmem:v5+s7+$0x0], $0xffff;
	v5 =	vand.u32 $0xFFFF0000, v6;
	v6 =	vand.u32 $0xFFFF0000, v9  }
0xcf: {  	v15 =	vld.idx.msk [tilespmem:v17+s7+$0x0], $0xffff;
	v5 =	vsub.f32 v14, v5;
	v3 =	vsub.f32 v3, v6  }
0xd0: {  	v7 =	vld.idx.msk [tilespmem:v7+s7+$0x0], $0xffff  }
0xd1: {  	v14 =	vld.idx.msk [tilespmem:v16+s7+$0x0], $0xffff;
	v5 =	vmax.f32 v5, $0.0e+00;
	v3 =	vmax.f32 v3, $0.0e+00  }
0xd2: {  	s0 =	sadd.s32 $0x40, s0;
	v16 =	vld.idx.msk [tilespmem:v4+s7+$0x0], $0xffff;
	v3 =	vpack.i.f32.bf16 v3, v5  }
0xd3: {  	v6 =	vld.idx.msk [tilespmem:v2+s7+$0x0], $0xffff;
	[tilespmem:s0+$0x10] =	vst v3  }
0xd4: {  	v9 =	vld.idx.msk [tilespmem:v8+s7+$0x0], $0xffff  }
.Ltmp1:
0xd5: {  	v8 =	vld.idx.msk [tilespmem:v10+s7+$0x0], $0xffff;
	(pc) =	sbr.rel @p0 .LBB2_5-.Ltmp1, $4  }
0xd6: {  	v2 =	vsub.bf16 v15, v7;
	v7 =	vadd.bf16 v7, v15;
	v4 =	vld.idx.msk [tilespmem:v1+s7+$0x0], $0xffff  }
0xd7: {  	v5 =	vld.idx.msk [tilespmem:v11+s7+$0x0], $0xffff  }
0xd8: {  	v1 =	vand.u32 $0x7FFF7FFF, v2;
	v11 =	vsub.bf16 v14, v16;
	v10 =	vadd.bf16 v16, v14;
	v3 =	vld.idx.msk [tilespmem:v13+s7+$0x0], $0xffff  }
0xd9: {  	s29 =	sadd.s32 $0x80, s29;
	v2 =	vshll.u32 v7, $0x10;
	v1 =	vand.u32 $0xFFFF0000, v1;
	v7 =	vld.idx.msk [tilespmem:v12+s7+$0x0], $0xffff  }
0xda: {  	v12 =	vsub.bf16 v6, v9  }
0xdb: {  	v11 =	vand.u32 $0x7FFF7FFF, v11;
	v39 =	vadd.bf16 v9, v6;
	v40 =	vsub.bf16 v8, v0  }
0xdc: {  	v41 =	vadd.bf16 v0, v8;
	v10 =	vshll.u32 v10, $0x10;
	v1 =	vsub.f32 v2, v1  }
0xdd: {  	v42 =	vand.u32 $0xFFFF0000, v11;
	v43 =	vand.u32 $0x7FFF7FFF, v12;
	v6 =	vshll.u32 v39, $0x10  }
0xde: {  	v9 =	vand.u32 $0x7FFF7FFF, v40;
	v44 =	vsub.bf16 v4, v5;
	v45 =	vadd.bf16 v5, v4  }
0xdf: {  	v0 =	vshll.u32 v41, $0x10;
	v52 =	vsub.f32 v10, v42;
	v1 =	vmax.f32 v1, $0.0e+00  }
0xe0: {  	v46 =	vand.u32 $0xFFFF0000, v9;
	v47 =	vand.u32 $0xFFFF0000, v43;
	v48 =	vsub.bf16 v3, v7  }
0xe1: {  	v12 =	vand.u32 $0x7FFF7FFF, v44;
	v49 =	vadd.bf16 v7, v3;
	v0 =	vsub.f32 v0, v46  }
0xe2: {  	v4 =	vshll.u32 v45, $0x10;
	v6 =	vsub.f32 v6, v47;
	v51 =	vand.u32 $0x7FFF7FFF, v48  }
0xe3: {  	v50 =	vand.u32 $0xFFFF0000, v12;
	v3 =	vshll.u32 v49, $0x10;
	v2 =	vand.u32 $0xFFFF0000, v51  }
0xe4: {  	v0 =	vmax.f32 v0, $0.0e+00;
	v4 =	vsub.f32 v4, v50;
	v2 =	vsub.f32 v3, v2  }
0xe5: {  	v53 =	vmax.f32 v52, $0.0e+00;
	v54 =	vmax.f32 v6, $0.0e+00;
	v0 =	vpack.i.f32.bf16 v1, v0  }
0xe6: {  	v56 =	vpack.i.f32.bf16 v54, v53;
	v55 =	vmax.f32 v4, $0.0e+00;
	[tilespmem:s0+$0xFFFFFFE0] =	vst v0;
	v2 =	vmax.f32 v2, $0.0e+00  }
0xe7: {  	[tilespmem:s0+$0xFFFFFFF0] =	vst v56;
	v1 =	vpack.i.f32.bf16 v2, v55  }
0xe8: {  	[tilespmem:s0+$0x0] =	vst v1  }
0xe9: {  	v0 =	vld [tilespmem:$0x1A680]  }
0xea: {  	v1 =	vld [tilespmem:$0x1C680]  }
0xeb: {  	v57 =	vld [tilespmem:$0x1A690]  }
0xec: {  	v58 =	vld [tilespmem:$0x1C690];
	_ =	sdelay $0x4  }
0xed: {  	v0 =	vld.idx.msk [tilespmem:v0+s7+$0x0], $0xffff  }
0xee: {  	v1 =	vld.idx.msk [tilespmem:v1+s7+$0x0], $0xffff  }
0xef: {  	v2 =	vld.idx.msk [tilespmem:v57+s7+$0x0], $0xffff  }
0xf0: {  	v3 =	vld.idx.msk [tilespmem:v58+s7+$0x0], $0xffff;
	_ =	sdelay $0x3  }
0xf1: {  	v59 =	vsub.bf16 v0, v1  }
0xf2: {  	v60 =	vsub.bf16 v2, v3;
	v0 =	vadd.bf16 v1, v0  }
0xf3: {  	v61 =	vadd.bf16 v3, v2  }
0xf4: {  	v4 =	vand.u32 $0x7FFF7FFF, v59;
	v63 =	vand.u32 $0x7FFF7FFF, v60;
	v0 =	vshll.u32 v0, $0x10  }
0xf5: {  	s31 =	sadd.s32 $0x1, s31;
	v1 =	vshll.u32 v61, $0x10;
	v62 =	vand.u32 $0xFFFF0000, v4;
	v3 =	vand.u32 $0xFFFF0000, v63  }
0xf6: {  	s29 =	smul.u32 $0x7D0, s4;
	p0 =	sne.s32 s31, $0x19;
	v0 =	vsub.f32 v0, v62;
	v1 =	vsub.f32 v1, v3  }
.Ltmp2:
0xf7: {  	_ = 	snop;
	(pc) =	sbr.rel @p0 .LBB2_2-.Ltmp2, $4  }
0xf8: {  	s0 =	sadd.s32 s9, s29;
	v0 =	vmax.f32 v0, $0.0e+00;
	v1 =	vmax.f32 v1, $0.0e+00  }
0xf9: {  	s0 =	sshrl.u32 s0, $0x3;
	v0 =	vpack.i.f32.bf16 v1, v0  }
0xfa: {  	s0 =	sadd.s32 s5, s0;
	[tilespmem:$0x1D6C0] =	vst v0  }
0xfb: {  	[hbm4b:s0+s7] =	stream.linear.scatter [tilespmem:s25], [sflag:$0x6], $0x7D0, $0x38;
	[tilespmem:$0x1D780] =	vst v63  }
0xfc: {  	_ =	swait.ge [sflag:s26], $0x7D0  }
0xfd: {  	[sflag:s26] =	ssyncset.done $0x0  }
0xfe: {  	[sflag:s26] =	ssyncadd.s32 $0xFFFFF830  }
0xff: {  	_ =	swait.ge [sflag:s28], $0x7D0  }
0x100: {  	[sflag:s28] =	ssyncset.done $0x0  }
0x101: {  	[sflag:s28] =	ssyncadd.s32 $0xFFFFF830  }
0x102: {  	s31 =	simm.s32 $0x0;
	s0 =	rddreg [dreg:$0x1]  }
0x103: {  	[tilespmem:s31], [sflag:$0x7] =	stream.linear.gather [hbm4b:s0+s31], $0x18700, $0x38;
	[tilespmem:$0x1D780] =	vst v63  }
0x104: {  	_ =	swait.ge [sflag:s15], $0x18700  }
0x105: {  	[sflag:s15] =	ssyncset.done $0x0  }
0x106: {  	[sflag:s15] =	ssyncadd.s32 $0xFFFE7900  }
0x107: {  	[tilespmem:s16], [sflag:$0x1] =	stream.linear.gather [hbm4b:s8+s31], $0xFA0, $0x38;
	[tilespmem:$0x1D780] =	vst v63  }
0x108: {  	_ = 	snop  }
0x109: {  	[tilespmem:s17], [sflag:$0x3] =	stream.linear.gather [hbm4b:s10+s31], $0xFA0, $0x38;
	[tilespmem:$0x1D780] =	vst v63  }
0x10a: {  	_ = 	snop  }
0x10b: {  	v3 =	vimm.f32 $0.0e+00;
	v4 =	vimm.f32 $0.0e+00;
	[tilespmem:s22], [sflag:$0x5] =	stream.linear.gather [hbm4b:s12+s31], $0x7D0, $0x38;
	[tilespmem:$0x1D780] =	vst v63  }
.LBB2_8:
0x10c: {  	s0 =	sshllo.u32 s31, $0x1  }
0x10d: {  	s1 =	smul.u32 $0xFA0, s0;
	_ =	sdelay $0x1  }
0x10e: {  	s0 =	smul.u32 $0x7D0, s0;
	s1 =	sadd.s32 s6, s1  }
0x10f: {  	s1 =	sshrl.u32 s1, $0x3  }
0x110: {  	s0 =	sadd.s32 s9, s0;
	s1 =	sadd.s32 s3, s1  }
0x111: {  	[tilespmem:s18], [sflag:$0x2] =	stream.linear.gather [hbm4b:s1+s7], $0xFA0, $0x38;
	[tilespmem:$0x1D780] =	vst v63  }
0x112: {  	s0 =	sshrl.u32 s0, $0x3;
	s1 =	sadd.s32 $0xC3500, s1  }
0x113: {  	[tilespmem:s19], [sflag:$0x4] =	stream.linear.gather [hbm4b:s1+s7], $0xFA0, $0x38;
	[tilespmem:$0x1D780] =	vst v63  }
0x114: {  	s0 =	sadd.s32 s5, s0  }
0x115: {  	[tilespmem:s25], [sflag:$0x6] =	stream.linear.gather [hbm4b:s0+s7], $0x7D0, $0x38;
	[tilespmem:$0x1D780] =	vst v63  }
0x116: {  	_ =	swait.ge [sflag:s20], $0xFA0  }
0x117: {  	[sflag:s20] =	ssyncset.done $0x0  }
0x118: {  	[sflag:s20] =	ssyncadd.s32 $0xFFFFF060  }
0x119: {  	_ =	swait.ge [sflag:s21], $0xFA0  }
0x11a: {  	[sflag:s21] =	ssyncset.done $0x0  }
0x11b: {  	[sflag:s21] =	ssyncadd.s32 $0xFFFFF060  }
0x11c: {  	_ =	swait.ge [sflag:s26], $0x7D0  }
0x11d: {  	[sflag:s26] =	ssyncset.done $0x0  }
0x11e: {  	s4 =	simm.s32 $0x1C720;
	[sflag:s26] =	ssyncadd.s32 $0xFFFFF830  }
0x11f: {  	v1 =	vld [tilespmem:s4+$0x10]  }
0x120: {  	v2 =	vld [tilespmem:s4+$0x0]  }
0x121: {  	v7 =	vld [tilespmem:s4+$0xFFFFFFF0]  }
0x122: {  	s1 =	simm.s32 $0x18740;
	v10 =	vld [tilespmem:s4+$0xFFFFFFE0]  }
0x123: {  	v0 =	vld [tilespmem:s1+$0x20]  }
0x124: {  	v6 =	vld [tilespmem:s1+$0x30]  }
0x125: {  	v11 =	vld [tilespmem:s1+$0x0]  }
0x126: {  	v13 =	vld [tilespmem:s1+$0x10]  }
0x127: {  	v15 =	vld [tilespmem:s1+$0xFFFFFFE0]  }
0x128: {  	v17 =	vld [tilespmem:s1+$0xFFFFFFF0]  }
0x129: {  	v21 =	vld [tilespmem:s1+$0xFFFFFFC0]  }
0x12a: {  	s4 =	simm.s32 $0x1A740;
	v29 =	vld [tilespmem:s1+$0xFFFFFFD0]  }
0x12b: {  	v5 =	vld [tilespmem:s4+$0x20]  }
0x12c: {  	v9 =	vld [tilespmem:s4+$0x30]  }
0x12d: {  	v12 =	vld [tilespmem:s4+$0x0]  }
0x12e: {  	v14 =	vld [tilespmem:s4+$0x10]  }
0x12f: {  	v16 =	vld [tilespmem:s4+$0xFFFFFFE0]  }
0x130: {  	v18 =	vld [tilespmem:s4+$0xFFFFFFF0]  }
0x131: {  	v23 =	vld [tilespmem:s4+$0xFFFFFFC0]  }
0x132: {  	v30 =	vld [tilespmem:s4+$0xFFFFFFD0]  }
0x133: {  	v0 =	vld.idx.msk [tilespmem:v0+s7+$0x0], $0xffff  }
0x134: {  	v8 =	vld.idx.msk [tilespmem:v6+s7+$0x0], $0xffff  }
0x135: {  	v6 =	vld.idx.msk [tilespmem:v11+s7+$0x0], $0xffff  }
0x136: {  	v27 =	vld.idx.msk [tilespmem:v13+s7+$0x0], $0xffff  }
0x137: {  	v19 =	vld.idx.msk [tilespmem:v15+s7+$0x0], $0xffff  }
0x138: {  	v22 =	vld.idx.msk [tilespmem:v17+s7+$0x0], $0xffff  }
0x139: {  	v5 =	vld.idx.msk [tilespmem:v5+s7+$0x0], $0xffff  }
0x13a: {  	v26 =	vld.idx.msk [tilespmem:v9+s7+$0x0], $0xffff  }
0x13b: {  	v25 =	vld.idx.msk [tilespmem:v12+s7+$0x0], $0xffff  }
0x13c: {  	v28 =	vld.idx.msk [tilespmem:v14+s7+$0x0], $0xffff  }
0x13d: {  	v20 =	vld.idx.msk [tilespmem:v16+s7+$0x0], $0xffff  }
0x13e: {  	v24 =	vld.idx.msk [tilespmem:v18+s7+$0x0], $0xffff  }
0x13f: {  	v16 =	vld.idx.msk [tilespmem:v21+s7+$0x0], $0xffff  }
0x140: {  	v17 =	vld.idx.msk [tilespmem:v23+s7+$0x0], $0xffff  }
0x141: {  	v18 =	vld.idx.msk [tilespmem:v29+s7+$0x0], $0xffff  }
0x142: {  	s2 =	simm.s32 $0x0;
	s29 =	simm.s32 $0x1C760;
	s0 =	sshll.u32 s31, $0x1;
	v23 =	vld.idx.msk [tilespmem:v30+s7+$0x0], $0xffff;
	v9 =	vunpack.i.l.bf16.f32 v1;
	v21 =	vadd.bf16 v5, v0;
	v11 =	vadd.bf16 v26, v8  }
.LBB2_9:
0x143: {  	v12 =	vld [tilespmem:s29+$0x10];
	v13 =	vunpack.i.u.bf16.f32 v2;
	v0 =	vsub.bf16 v0, v5;
	v5 =	vsub.bf16 v8, v26  }
0x144: {  	v8 =	vadd.bf16 v25, v6;
	v14 =	vadd.bf16 v28, v27;
	v15 =	vunpack.i.l.bf16.f32 v2;
	v2 =	vld [tilespmem:s29+$0x0]  }
0x145: {  	v29 =	vunpack.i.u.bf16.f32 v7;
	v6 =	vsub.bf16 v6, v25;
	v25 =	vsub.bf16 v27, v28;
	v26 =	vld [tilespmem:s29+$0xFFFFFFF0]  }
0x146: {  	v28 =	vadd.bf16 v20, v19;
	v30 =	vadd.bf16 v24, v22;
	v31 =	vunpack.i.l.bf16.f32 v7;
	s1 =	sadd.s32 $0x80, s1;
	v27 =	vld [tilespmem:s29+$0xFFFFFFE0]  }
0x147: {  	v33 =	vunpack.i.u.bf16.f32 v10;
	v19 =	vsub.bf16 v19, v20;
	v20 =	vsub.bf16 v22, v24;
	s4 =	sadd.s32 $0x80, s4;
	v32 =	vld [tilespmem:s1+$0x20]  }
0x148: {  	v35 =	vunpack.i.l.bf16.f32 v10;
	v24 =	vadd.bf16 v17, v16;
	v34 =	vadd.bf16 v23, v18;
	v22 =	vld [tilespmem:s4+$0x20]  }
0x149: {  	v16 =	vsub.bf16 v16, v17;
	v17 =	vsub.bf16 v18, v23;
	v18 =	vshll.u32 v21, $0x10;
	v36 =	vld [tilespmem:s1+$0x30]  }
0x14a: {  	v11 =	vshll.u32 v11, $0x10;
	v0 =	vand.u32 $0x7FFF7FFF, v0;
	v5 =	vand.u32 $0x7FFF7FFF, v5;
	v21 =	vld [tilespmem:s4+$0x30];
	v7 =	vmovc v26  }
0x14b: {  	v6 =	vand.u32 $0x7FFF7FFF, v6;
	v8 =	vshll.u32 v8, $0x10;
	v14 =	vshll.u32 v14, $0x10;
	v23 =	vld [tilespmem:s1+$0x0];
	v10 =	vmovc v27  }
0x14c: {  	v25 =	vand.u32 $0x7FFF7FFF, v25;
	v26 =	vshll.u32 v28, $0x10;
	v28 =	vshll.u32 v30, $0x10;
	v27 =	vld [tilespmem:s4+$0x0]  }
0x14d: {  	v19 =	vand.u32 $0x7FFF7FFF, v19;
	v20 =	vand.u32 $0x7FFF7FFF, v20;
	v24 =	vshll.u32 v24, $0x10;
	v30 =	vld [tilespmem:s1+$0x10]  }
0x14e: {  	v16 =	vand.u32 $0x7FFF7FFF, v16;
	v17 =	vand.u32 $0x7FFF7FFF, v17;
	v34 =	vshll.u32 v34, $0x10;
	v37 =	vld [tilespmem:s4+$0x10]  }
0x14f: {  	v6 =	vand.u32 $0xFFFF0000, v6;
	v0 =	vand.u32 $0xFFFF0000, v0;
	v5 =	vand.u32 $0xFFFF0000, v5;
	v38 =	vld [tilespmem:s1+$0xFFFFFFE0]  }
0x150: {  	v25 =	vand.u32 $0xFFFF0000, v25;
	v16 =	vand.u32 $0xFFFF0000, v16;
	v18 =	vsub.f32 v18, v0;
	v39 =	vld [tilespmem:s4+$0xFFFFFFE0]  }
0x151: {  	v6 =	vsub.f32 v8, v6;
	v11 =	vsub.f32 v11, v5;
	v0 =	vand.u32 $0xFFFF0000, v17;
	v40 =	vld [tilespmem:s1+$0xFFFFFFF0]  }
0x152: {  	v8 =	vand.u32 $0xFFFF0000, v19;
	v5 =	vsub.f32 v24, v16;
	v0 =	vsub.f32 v34, v0;
	v17 =	vld [tilespmem:s4+$0xFFFFFFF0]  }
0x153: {  	v19 =	vand.u32 $0xFFFF0000, v20;
	v14 =	vsub.f32 v14, v25;
	v8 =	vsub.f32 v26, v8;
	v16 =	vld [tilespmem:s1+$0xFFFFFFC0]  }
0x154: {  	v5 =	vmax.f32 v5, $0.0e+00;
	v19 =	vsub.f32 v28, v19;
	v0 =	vmax.f32 v0, $0.0e+00;
	v34 =	vld [tilespmem:s4+$0xFFFFFFC0]  }
0x155: {  	v5 =	vmul.f32 v5, v35;
	v20 =	vmul.f32 v0, v33;
	v0 =	vmax.f32 v8, $0.0e+00;
	v41 =	vld [tilespmem:s1+$0xFFFFFFD0]  }
0x156: {  	v6 =	vmax.f32 v6, $0.0e+00;
	v8 =	vmax.f32 v19, $0.0e+00;
	v19 =	vmul.f32 v0, v31;
	v33 =	vld [tilespmem:s4+$0xFFFFFFD0]  }
0x157: {  	v4 =	vadd.f32 v5, v4;
	v3 =	vadd.f32 v20, v3;
	v20 =	vmul.f32 v8, v29;
	v0 =	vld.idx.msk [tilespmem:v32+s7+$0x0], $0xffff  }
0x158: {  	v14 =	vmax.f32 v14, $0.0e+00;
	v15 =	vmul.f32 v6, v15;
	v6 =	vmax.f32 v18, $0.0e+00;
	v5 =	vld.idx.msk [tilespmem:v22+s7+$0x0], $0xffff  }
0x159: {  	v13 =	vmul.f32 v14, v13;
	v4 =	vadd.f32 v19, v4;
	v3 =	vadd.f32 v20, v3;
	v8 =	vld.idx.msk [tilespmem:v36+s7+$0x0], $0xffff  }
0x15a: {  	v11 =	vmax.f32 v11, $0.0e+00;
	v14 =	vunpack.i.u.bf16.f32 v1;
	v1 =	vmovc v12;
	v9 =	vmul.f32 v6, v9;
	v26 =	vld.idx.msk [tilespmem:v21+s7+$0x0], $0xffff  }
0x15b: {  	v11 =	vmul.f32 v11, v14;
	v4 =	vadd.f32 v15, v4;
	v3 =	vadd.f32 v13, v3;
	v6 =	vld.idx.msk [tilespmem:v23+s7+$0x0], $0xffff  }
0x15c: {  	v25 =	vld.idx.msk [tilespmem:v27+s7+$0x0], $0xffff  }
0x15d: {  	v4 =	vadd.f32 v9, v4;
	v3 =	vadd.f32 v11, v3;
	v27 =	vld.idx.msk [tilespmem:v30+s7+$0x0], $0xffff  }
0x15e: {  	v28 =	vld.idx.msk [tilespmem:v37+s7+$0x0], $0xffff  }
0x15f: {  	v19 =	vld.idx.msk [tilespmem:v38+s7+$0x0], $0xffff  }
0x160: {  	s2 =	sadd.s32 $0x80, s2;
	v20 =	vld.idx.msk [tilespmem:v39+s7+$0x0], $0xffff  }
0x161: {  	p0 =	slt.u32 s2, $0xF00;
	v22 =	vld.idx.msk [tilespmem:v40+s7+$0x0], $0xffff  }
.Ltmp3:
0x162: {  	v24 =	vld.idx.msk [tilespmem:v17+s7+$0x0], $0xffff;
	(pc) =	sbr.rel @p0 .LBB2_9-.Ltmp3, $4  }
0x163: {  	v16 =	vld.idx.msk [tilespmem:v16+s7+$0x0], $0xffff  }
0x164: {  	v17 =	vld.idx.msk [tilespmem:v34+s7+$0x0], $0xffff  }
0x165: {  	v18 =	vld.idx.msk [tilespmem:v41+s7+$0x0], $0xffff  }
0x166: {  	s29 =	sadd.s32 $0x40, s29;
	v9 =	vunpack.i.l.bf16.f32 v1;
	v21 =	vadd.bf16 v5, v0;
	v11 =	vadd.bf16 v26, v8;
	v23 =	vld.idx.msk [tilespmem:v33+s7+$0x0], $0xffff  }
0x167: {  	v12 =	vld [tilespmem:$0x19680]  }
0x168: {  	v13 =	vld [tilespmem:$0x1B680]  }
0x169: {  	v15 =	vld [tilespmem:$0x19690]  }
0x16a: {  	v29 =	vld [tilespmem:$0x1B690];
	_ =	sdelay $0x1  }
0x16b: {  	p0 =	seq.s32 s31, $0x18  }
0x16c: {  	s0 =	sadd.s32 @!p0 $0x2, s0  }
0x16d: {  	s1 =	smul.u32 @!p0 $0xFA0, s0  }
0x16e: {  	v14 =	vld.idx.msk [tilespmem:v12+s7+$0x0], $0xffff  }
0x16f: {  	s0 =	smul.u32 @!p0 $0x7D0, s0;
	s1 =	sadd.s32 @!p0 s6, s1;
	v30 =	vld.idx.msk [tilespmem:v13+s7+$0x0], $0xffff  }
0x170: {  	s2 =	simm.s32 @!p0 $0x0;
	s1 =	sshrl.u32 @!p0 s1, $0x3;
	v13 =	vld.idx.msk [tilespmem:v15+s7+$0x0], $0xffff  }
0x171: {  	s4 =	simm.s32 @!p0 $0x18700;
	s0 =	sadd.s32 @!p0 s9, s0;
	s1 =	sadd.s32 @!p0 s3, s1;
	v15 =	vld.idx.msk [tilespmem:v29+s7+$0x0], $0xffff  }
0x172: {  	v12 =	vld [tilespmem:$0x1CEC0];
	[tilespmem:s4], [sflag:$0x1] =	stream.linear.gather @!p0 [hbm4b:s1+s2], $0xFA0, $0x38  }
0x173: {  	s0 =	sshrl.u32 @!p0 s0, $0x3;
	s1 =	sadd.s32 @!p0 $0xC3500, s1;
	s4 =	simm.s32 @!p0 $0x1A700  }
0x174: {  	[tilespmem:s4], [sflag:$0x3] =	stream.linear.gather @!p0 [hbm4b:s1+s2], $0xFA0, $0x38;
	[tilespmem:$0x1D780] =	vst v63  }
0x175: {  	s0 =	sadd.s32 @!p0 s5, s0;
	s1 =	simm.s32 @!p0 $0x1C700  }
0x176: {  	[tilespmem:s1], [sflag:$0x5] =	stream.linear.gather @!p0 [hbm4b:s0+s2], $0x7D0, $0x38;
	[tilespmem:$0x1D780] =	vst v63  }
0x177: {  	_ =	swait.ge [sflag:s23], $0xFA0  }
0x178: {  	[sflag:s23] =	ssyncset.done $0x0  }
0x179: {  	[sflag:s23] =	ssyncadd.s32 $0xFFFFF060  }
0x17a: {  	_ =	swait.ge [sflag:s24], $0xFA0  }
0x17b: {  	[sflag:s24] =	ssyncset.done $0x0  }
0x17c: {  	[sflag:s24] =	ssyncadd.s32 $0xFFFFF060  }
0x17d: {  	_ =	swait.ge [sflag:s28], $0x7D0  }
0x17e: {  	[sflag:s28] =	ssyncset.done $0x0  }
0x17f: {  	s29 =	simm.s32 $0x1CF20;
	[sflag:s28] =	ssyncadd.s32 $0xFFFFF830  }
0x180: {  	v54 =	vsub.bf16 v0, v5;
	v26 =	vsub.bf16 v8, v26;
	v0 =	vld [tilespmem:s29+$0x10]  }
0x181: {  	v31 =	vadd.bf16 v25, v6;
	v32 =	vadd.bf16 v28, v27;
	v5 =	vld [tilespmem:s29+$0x0]  }
0x182: {  	v25 =	vsub.bf16 v6, v25;
	v27 =	vsub.bf16 v27, v28;
	v8 =	vld [tilespmem:s29+$0xFFFFFFF0]  }
0x183: {  	v55 =	vadd.bf16 v20, v19;
	v33 =	vadd.bf16 v24, v22;
	v34 =	vunpack.i.l.bf16.f32 v7;
	s4 =	simm.s32 $0x19740;
	v6 =	vld [tilespmem:s29+$0xFFFFFFE0]  }
0x184: {  	v19 =	vsub.bf16 v19, v20;
	v20 =	vsub.bf16 v22, v24;
	v24 =	vunpack.i.u.bf16.f32 v10;
	s1 =	simm.s32 $0x1B740;
	v22 =	vld [tilespmem:s4+$0x20]  }
0x185: {  	v10 =	vunpack.i.l.bf16.f32 v10;
	v35 =	vadd.bf16 v17, v16;
	v16 =	vsub.bf16 v16, v17;
	v37 =	vld [tilespmem:s1+$0x20]  }
0x186: {  	v7 =	vunpack.i.u.bf16.f32 v7;
	v36 =	vadd.bf16 v23, v18;
	v17 =	vsub.bf16 v18, v23;
	v18 =	vld [tilespmem:s4+$0x30]  }
0x187: {  	v21 =	vshll.u32 v21, $0x10;
	v25 =	vand.u32 $0x7FFF7FFF, v25;
	v31 =	vshll.u32 v31, $0x10;
	v56 =	vld [tilespmem:s1+$0x30]  }
0x188: {  	v32 =	vshll.u32 v32, $0x10;
	v28 =	vshll.u32 v55, $0x10;
	v23 =	vand.u32 $0x7FFF7FFF, v54;
	v38 =	vld [tilespmem:s4+$0x0]  }
0x189: {  	v19 =	vand.u32 $0x7FFF7FFF, v19;
	v27 =	vand.u32 $0x7FFF7FFF, v27;
	v23 =	vand.u32 $0xFFFF0000, v23;
	v39 =	vld [tilespmem:s1+$0x0]  }
0x18a: {  	v20 =	vand.u32 $0x7FFF7FFF, v20;
	v33 =	vshll.u32 v33, $0x10;
	v21 =	vsub.f32 v21, v23;
	v23 =	vld [tilespmem:s4+$0x10]  }
0x18b: {  	v25 =	vand.u32 $0xFFFF0000, v25;
	v19 =	vand.u32 $0xFFFF0000, v19;
	v35 =	vshll.u32 v35, $0x10;
	v57 =	vld [tilespmem:s1+$0x10]  }
0x18c: {  	v16 =	vand.u32 $0x7FFF7FFF, v16;
	v25 =	vsub.f32 v31, v25;
	v17 =	vand.u32 $0x7FFF7FFF, v17;
	v58 =	vld [tilespmem:s4+$0xFFFFFFE0]  }
0x18d: {  	v16 =	vand.u32 $0xFFFF0000, v16;
	v36 =	vshll.u32 v36, $0x10;
	v17 =	vand.u32 $0xFFFF0000, v17;
	v59 =	vld [tilespmem:s1+$0xFFFFFFE0]  }
0x18e: {  	v27 =	vand.u32 $0xFFFF0000, v27;
	v16 =	vsub.f32 v35, v16;
	v17 =	vsub.f32 v36, v17;
	v60 =	vld [tilespmem:s4+$0xFFFFFFF0]  }
0x18f: {  	v20 =	vand.u32 $0xFFFF0000, v20;
	v19 =	vsub.f32 v28, v19;
	v27 =	vsub.f32 v32, v27;
	v61 =	vld [tilespmem:s1+$0xFFFFFFF0]  }
0x190: {  	v20 =	vsub.f32 v33, v20;
	v16 =	vmax.f32 v16, $0.0e+00;
	v17 =	vmax.f32 v17, $0.0e+00;
	v62 =	vld [tilespmem:s4+$0xFFFFFFC0]  }
0x191: {  	v10 =	vmul.f32 v16, v10;
	v16 =	vmul.f32 v17, v24;
	v17 =	vmax.f32 v19, $0.0e+00;
	v19 =	vld [tilespmem:s1+$0xFFFFFFC0]  }
0x192: {  	v20 =	vmax.f32 v20, $0.0e+00;
	v25 =	vmax.f32 v25, $0.0e+00;
	v21 =	vmax.f32 v21, $0.0e+00;
	v63 =	vld [tilespmem:s4+$0xFFFFFFD0]  }
0x193: {  	v24 =	vunpack.i.l.bf16.f32 v2;
	v10 =	vadd.f32 v10, v4;
	v17 =	vmul.f32 v17, v34;
	v40 =	vld [tilespmem:s1+$0xFFFFFFD0]  }
0x194: {  	v2 =	vunpack.i.u.bf16.f32 v2;
	v3 =	vadd.f32 v16, v3;
	v16 =	vmul.f32 v20, v7;
	v4 =	vld.idx.msk [tilespmem:v22+s7+$0x0], $0xffff  }
0x195: {  	v20 =	vmul.f32 v25, v24;
	v17 =	vadd.f32 v17, v10;
	v10 =	vand.u32 $0x7FFF7FFF, v26;
	v7 =	vld.idx.msk [tilespmem:v37+s7+$0x0], $0xffff  }
0x196: {  	v24 =	vmax.f32 v27, $0.0e+00;
	v3 =	vadd.f32 v16, v3;
	v22 =	vand.u32 $0xFFFF0000, v10;
	v10 =	vld.idx.msk [tilespmem:v18+s7+$0x0], $0xffff  }
0x197: {  	v2 =	vmul.f32 v24, v2;
	v20 =	vadd.f32 v20, v17;
	v17 =	vsub.bf16 v14, v30;
	v16 =	vld.idx.msk [tilespmem:v56+s7+$0x0], $0xffff  }
0x198: {  	v11 =	vshll.u32 v11, $0x10;
	v21 =	vmul.f32 v21, v9;
	v24 =	vsub.bf16 v13, v15;
	v9 =	vld.idx.msk [tilespmem:v39+s7+$0x0], $0xffff  }
0x199: {  	v2 =	vadd.f32 v2, v3;
	v3 =	vadd.bf16 v15, v13;
	v13 =	vand.u32 $0x7FFF7FFF, v17;
	v17 =	vld.idx.msk [tilespmem:v57+s7+$0x0], $0xffff  }
0x19a: {  	v19 =	vld.idx.msk [tilespmem:v19+s7+$0x0], $0xffff;
	v18 =	vsub.f32 v11, v22;
	v22 =	vadd.bf16 v30, v14  }
0x19b: {  	v1 =	vunpack.i.u.bf16.f32 v1;
	v13 =	vand.u32 $0xFFFF0000, v13;
	v11 =	vld.idx.msk [tilespmem:v38+s7+$0x0], $0xffff  }
0x19c: {  	v3 =	vshll.u32 v3, $0x10;
	v14 =	vld.idx.msk [tilespmem:v23+s7+$0x0], $0xffff;
	v15 =	vshll.u32 v22, $0x10;
	v22 =	vand.u32 $0x7FFF7FFF, v24  }
0x19d: {  	v18 =	vmax.f32 v18, $0.0e+00;
	v23 =	vsub.f32 v15, v13;
	v15 =	vand.u32 $0xFFFF0000, v22;
	v13 =	vld.idx.msk [tilespmem:v58+s7+$0x0], $0xffff  }
0x19e: {  	v20 =	vadd.f32 v21, v20;
	v1 =	vmul.f32 v18, v1;
	v18 =	vld.idx.msk [tilespmem:v60+s7+$0x0], $0xffff;
	v3 =	vsub.f32 v3, v15  }
0x19f: {  	v22 =	vld.idx.msk [tilespmem:v61+s7+$0x0], $0xffff;
	v21 =	vmax.f32 v23, $0.0e+00;
	v23 =	vunpack.i.u.bf16.f32 v12;
	v12 =	vunpack.i.l.bf16.f32 v12  }
0x1a0: {  	v15 =	vld.idx.msk [tilespmem:v59+s7+$0x0], $0xffff;
	v2 =	vadd.f32 v1, v2;
	v3 =	vmax.f32 v3, $0.0e+00;
	v1 =	vmul.f32 v21, v12  }
0x1a1: {  	v12 =	vld.idx.msk [tilespmem:v62+s7+$0x0], $0xffff;
	v3 =	vmul.f32 v3, v23  }
0x1a2: {  	v24 =	vadd.bf16 v7, v4;
	v21 =	vld.idx.msk [tilespmem:v63+s7+$0x0], $0xffff;
	v1 =	vadd.f32 v1, v20  }
0x1a3: {  	s0 =	simm.s32 $0x0;
	s2 =	simm.s32 $0x1CF60;
	v23 =	vld.idx.msk [tilespmem:v40+s7+$0x0], $0xffff;
	v20 =	vadd.bf16 v16, v10;
	v2 =	vadd.f32 v3, v2;
	v3 =	vunpack.i.l.bf16.f32 v0  }
.LBB2_11:
0x1a4: {  	v25 =	vld [tilespmem:s2+$0x10];
	v26 =	vunpack.i.u.bf16.f32 v5;
	v4 =	vsub.bf16 v4, v7;
	v7 =	vsub.bf16 v10, v16  }
0x1a5: {  	v10 =	vadd.bf16 v9, v11;
	v16 =	vadd.bf16 v17, v14;
	v27 =	vunpack.i.l.bf16.f32 v5;
	v5 =	vld [tilespmem:s2+$0x0]  }
0x1a6: {  	v29 =	vunpack.i.u.bf16.f32 v8;
	v9 =	vsub.bf16 v11, v9;
	v11 =	vsub.bf16 v14, v17;
	v28 =	vld [tilespmem:s2+$0xFFFFFFF0]  }
0x1a7: {  	v17 =	vadd.bf16 v15, v13;
	v30 =	vadd.bf16 v22, v18;
	v31 =	vunpack.i.l.bf16.f32 v8;
	s4 =	sadd.s32 $0x80, s4;
	v14 =	vld [tilespmem:s2+$0xFFFFFFE0]  }
0x1a8: {  	v33 =	vunpack.i.u.bf16.f32 v6;
	v13 =	vsub.bf16 v13, v15;
	v15 =	vsub.bf16 v18, v22;
	s1 =	sadd.s32 $0x80, s1;
	v32 =	vld [tilespmem:s4+$0x20]  }
0x1a9: {  	v35 =	vunpack.i.l.bf16.f32 v6;
	v22 =	vadd.bf16 v19, v12;
	v34 =	vadd.bf16 v23, v21;
	v18 =	vld [tilespmem:s1+$0x20]  }
0x1aa: {  	v12 =	vsub.bf16 v12, v19;
	v19 =	vsub.bf16 v21, v23;
	v21 =	vshll.u32 v24, $0x10;
	v36 =	vld [tilespmem:s4+$0x30]  }
0x1ab: {  	v20 =	vshll.u32 v20, $0x10;
	v4 =	vand.u32 $0x7FFF7FFF, v4;
	v7 =	vand.u32 $0x7FFF7FFF, v7;
	v23 =	vld [tilespmem:s1+$0x30];
	v8 =	vmovc v28  }
0x1ac: {  	v9 =	vand.u32 $0x7FFF7FFF, v9;
	v10 =	vshll.u32 v10, $0x10;
	v16 =	vshll.u32 v16, $0x10;
	v24 =	vld [tilespmem:s4+$0x0];
	v6 =	vmovc v14  }
0x1ad: {  	v17 =	vshll.u32 v17, $0x10;
	v11 =	vand.u32 $0x7FFF7FFF, v11;
	v28 =	vshll.u32 v30, $0x10;
	v14 =	vld [tilespmem:s1+$0x0]  }
0x1ae: {  	v13 =	vand.u32 $0x7FFF7FFF, v13;
	v15 =	vand.u32 $0x7FFF7FFF, v15;
	v22 =	vshll.u32 v22, $0x10;
	v30 =	vld [tilespmem:s4+$0x10]  }
0x1af: {  	v12 =	vand.u32 $0x7FFF7FFF, v12;
	v19 =	vand.u32 $0x7FFF7FFF, v19;
	v34 =	vshll.u32 v34, $0x10;
	v37 =	vld [tilespmem:s1+$0x10]  }
0x1b0: {  	v9 =	vand.u32 $0xFFFF0000, v9;
	v4 =	vand.u32 $0xFFFF0000, v4;
	v7 =	vand.u32 $0xFFFF0000, v7;
	v38 =	vld [tilespmem:s4+$0xFFFFFFE0]  }
0x1b1: {  	v11 =	vand.u32 $0xFFFF0000, v11;
	v12 =	vand.u32 $0xFFFF0000, v12;
	v21 =	vsub.f32 v21, v4;
	v39 =	vld [tilespmem:s1+$0xFFFFFFE0]  }
0x1b2: {  	v9 =	vsub.f32 v10, v9;
	v4 =	vand.u32 $0xFFFF0000, v19;
	v19 =	vsub.f32 v20, v7;
	v40 =	vld [tilespmem:s4+$0xFFFFFFF0]  }
0x1b3: {  	v10 =	vand.u32 $0xFFFF0000, v13;
	v7 =	vsub.f32 v22, v12;
	v4 =	vsub.f32 v34, v4;
	v20 =	vld [tilespmem:s1+$0xFFFFFFF0]  }
0x1b4: {  	v13 =	vand.u32 $0xFFFF0000, v15;
	v11 =	vsub.f32 v16, v11;
	v10 =	vsub.f32 v17, v10;
	v12 =	vld [tilespmem:s4+$0xFFFFFFC0]  }
0x1b5: {  	v13 =	vsub.f32 v28, v13;
	v7 =	vmax.f32 v7, $0.0e+00;
	v4 =	vmax.f32 v4, $0.0e+00;
	v34 =	vld [tilespmem:s1+$0xFFFFFFC0]  }
0x1b6: {  	v7 =	vmul.f32 v7, v35;
	v15 =	vmul.f32 v4, v33;
	v4 =	vmax.f32 v10, $0.0e+00;
	v28 =	vld [tilespmem:s4+$0xFFFFFFD0]  }
0x1b7: {  	v9 =	vmax.f32 v9, $0.0e+00;
	v10 =	vmax.f32 v13, $0.0e+00;
	v13 =	vmul.f32 v4, v31;
	v33 =	vld [tilespmem:s1+$0xFFFFFFD0]  }
0x1b8: {  	v1 =	vadd.f32 v7, v1;
	v2 =	vadd.f32 v15, v2;
	v15 =	vmul.f32 v10, v29;
	v4 =	vld.idx.msk [tilespmem:v32+s7+$0x0], $0xffff  }
0x1b9: {  	v11 =	vmax.f32 v11, $0.0e+00;
	v9 =	vmul.f32 v9, v27;
	v17 =	vmax.f32 v21, $0.0e+00;
	v7 =	vld.idx.msk [tilespmem:v18+s7+$0x0], $0xffff  }
0x1ba: {  	v1 =	vadd.f32 v13, v1;
	v13 =	vmul.f32 v11, v26;
	v2 =	vadd.f32 v15, v2;
	v10 =	vld.idx.msk [tilespmem:v36+s7+$0x0], $0xffff  }
0x1bb: {  	v3 =	vmul.f32 v17, v3;
	v15 =	vmax.f32 v19, $0.0e+00;
	v18 =	vunpack.i.u.bf16.f32 v0;
	v0 =	vmovc v25;
	v16 =	vld.idx.msk [tilespmem:v23+s7+$0x0], $0xffff  }
0x1bc: {  	v1 =	vadd.f32 v9, v1;
	v2 =	vadd.f32 v13, v2;
	v13 =	vmul.f32 v15, v18;
	v11 =	vld.idx.msk [tilespmem:v24+s7+$0x0], $0xffff  }
0x1bd: {  	v9 =	vld.idx.msk [tilespmem:v14+s7+$0x0], $0xffff  }
0x1be: {  	v1 =	vadd.f32 v3, v1;
	v2 =	vadd.f32 v13, v2;
	v14 =	vld.idx.msk [tilespmem:v30+s7+$0x0], $0xffff  }
0x1bf: {  	v17 =	vld.idx.msk [tilespmem:v37+s7+$0x0], $0xffff  }
0x1c0: {  	v13 =	vld.idx.msk [tilespmem:v38+s7+$0x0], $0xffff  }
0x1c1: {  	s0 =	sadd.s32 $0x80, s0;
	v15 =	vld.idx.msk [tilespmem:v39+s7+$0x0], $0xffff  }
0x1c2: {  	p0 =	slt.u32 s0, $0xF00;
	v18 =	vld.idx.msk [tilespmem:v40+s7+$0x0], $0xffff  }
.Ltmp4:
0x1c3: {  	v22 =	vld.idx.msk [tilespmem:v20+s7+$0x0], $0xffff;
	(pc) =	sbr.rel @p0 .LBB2_11-.Ltmp4, $4  }
0x1c4: {  	v12 =	vld.idx.msk [tilespmem:v12+s7+$0x0], $0xffff  }
0x1c5: {  	v19 =	vld.idx.msk [tilespmem:v34+s7+$0x0], $0xffff  }
0x1c6: {  	v21 =	vld.idx.msk [tilespmem:v28+s7+$0x0], $0xffff  }
0x1c7: {  	s2 =	sadd.s32 $0x40, s2;
	v3 =	vunpack.i.l.bf16.f32 v0;
	v24 =	vadd.bf16 v7, v4;
	v20 =	vadd.bf16 v16, v10;
	v23 =	vld.idx.msk [tilespmem:v33+s7+$0x0], $0xffff  }
0x1c8: {  	v4 =	vsub.bf16 v4, v7;
	v7 =	vsub.bf16 v10, v16;
	v36 =	vunpack.i.u.bf16.f32 v5  }
0x1c9: {  	v37 =	vadd.bf16 v9, v11;
	v25 =	vadd.bf16 v17, v14;
	v5 =	vunpack.i.l.bf16.f32 v5  }
0x1ca: {  	v38 =	vsub.bf16 v11, v9;
	v39 =	vsub.bf16 v14, v17;
	v40 =	vunpack.i.u.bf16.f32 v8  }
0x1cb: {  	v41 =	vadd.bf16 v15, v13;
	v26 =	vadd.bf16 v22, v18;
	v42 =	vunpack.i.l.bf16.f32 v8  }
0x1cc: {  	v43 =	vsub.bf16 v13, v15;
	v44 =	vsub.bf16 v18, v22;
	v45 =	vunpack.i.u.bf16.f32 v6  }
0x1cd: {  	v6 =	vunpack.i.l.bf16.f32 v6;
	v0 =	vunpack.i.u.bf16.f32 v0;
	v49 =	vshll.u32 v24, $0x10  }
0x1ce: {  	v20 =	vshll.u32 v20, $0x10;
	v46 =	vadd.bf16 v19, v12;
	v47 =	vsub.bf16 v12, v19  }
0x1cf: {  	v50 =	vld [tilespmem:$0x1A680];
	v4 =	vand.u32 $0x7FFF7FFF, v4;
	v7 =	vand.u32 $0x7FFF7FFF, v7;
	v9 =	vand.u32 $0x7FFF7FFF, v38  }
0x1d0: {  	v52 =	vld [tilespmem:$0x1C680];
	v16 =	vshll.u32 v37, $0x10;
	v51 =	vshll.u32 v25, $0x10;
	v17 =	vshll.u32 v41, $0x10  }
0x1d1: {  	v53 =	vld [tilespmem:$0x1A690];
	v26 =	vshll.u32 v26, $0x10;
	v11 =	vand.u32 $0x7FFF7FFF, v39;
	v13 =	vand.u32 $0x7FFF7FFF, v43  }
0x1d2: {  	v54 =	vld [tilespmem:$0x1C690];
	v15 =	vand.u32 $0x7FFF7FFF, v44;
	v4 =	vand.u32 $0xFFFF0000, v4;
	v9 =	vand.u32 $0xFFFF0000, v9  }
0x1d3: {  	v7 =	vand.u32 $0xFFFF0000, v7;
	v11 =	vand.u32 $0xFFFF0000, v11;
	v27 =	vadd.bf16 v23, v21  }
0x1d4: {  	v13 =	vand.u32 $0xFFFF0000, v13;
	v48 =	vsub.bf16 v21, v23;
	v4 =	vsub.f32 v49, v4  }
0x1d5: {  	v22 =	vshll.u32 v46, $0x10;
	v9 =	vsub.f32 v16, v9;
	v12 =	vand.u32 $0x7FFF7FFF, v47  }
0x1d6: {  	v13 =	vsub.f32 v17, v13;
	v12 =	vand.u32 $0xFFFF0000, v12;
	v19 =	vand.u32 $0x7FFF7FFF, v48  }
0x1d7: {  	v27 =	vshll.u32 v27, $0x10;
	v12 =	vsub.f32 v22, v12;
	v19 =	vand.u32 $0xFFFF0000, v19;
	v55 =	vld.idx.msk [tilespmem:v50+s7+$0x0], $0xffff  }
0x1d8: {  	v15 =	vand.u32 $0xFFFF0000, v15;
	v11 =	vsub.f32 v51, v11;
	v19 =	vsub.f32 v27, v19;
	v56 =	vld.idx.msk [tilespmem:v52+s7+$0x0], $0xffff  }
0x1d9: {  	v15 =	vsub.f32 v26, v15;
	v7 =	vsub.f32 v20, v7;
	v12 =	vmax.f32 v12, $0.0e+00;
	v58 =	vld.idx.msk [tilespmem:v53+s7+$0x0], $0xffff  }
0x1da: {  	v13 =	vmax.f32 v13, $0.0e+00;
	v59 =	vld.idx.msk [tilespmem:v54+s7+$0x0], $0xffff;
	v6 =	vmul.f32 v12, v6;
	v19 =	vmax.f32 v19, $0.0e+00  }
0x1db: {  	v15 =	vmax.f32 v15, $0.0e+00;
	v9 =	vmax.f32 v9, $0.0e+00;
	v57 =	vmul.f32 v19, v45  }
0x1dc: {  	v11 =	vmax.f32 v11, $0.0e+00;
	v8 =	vmul.f32 v13, v42;
	v1 =	vadd.f32 v6, v1  }
0x1dd: {  	v4 =	vmax.f32 v4, $0.0e+00;
	v5 =	vmul.f32 v9, v5;
	v2 =	vadd.f32 v57, v2  }
0x1de: {  	v6 =	vmul.f32 v15, v40;
	v1 =	vadd.f32 v8, v1;
	v60 =	vsub.bf16 v55, v56  }
0x1df: {  	v3 =	vmul.f32 v4, v3;
	v4 =	vadd.bf16 v56, v55;
	v61 =	vsub.bf16 v58, v59  }
0x1e0: {  	v63 =	vld [tilespmem:$0x1D6C0];
	v7 =	vmax.f32 v7, $0.0e+00;
	v62 =	vadd.bf16 v59, v58;
	v2 =	vadd.f32 v6, v2  }
0x1e1: {  	v6 =	vmul.f32 v11, v36;
	v1 =	vadd.f32 v5, v1;
	v5 =	vand.u32 $0x7FFF7FFF, v60  }
0x1e2: {  	v4 =	vshll.u32 v4, $0x10;
	v9 =	vand.u32 $0x7FFF7FFF, v61;
	v5 =	vand.u32 $0xFFFF0000, v5  }
0x1e3: {  	s31 =	sadd.s32 $0x1, s31;
	v8 =	vshll.u32 v62, $0x10;
	v4 =	vsub.f32 v4, v5;
	v5 =	vand.u32 $0xFFFF0000, v9  }
0x1e4: {  	p0 =	sne.s32 s31, $0x19;
	v0 =	vmul.f32 v7, v0;
	v5 =	vsub.f32 v8, v5  }
.Ltmp5:
0x1e5: {  	v2 =	vadd.f32 v6, v2;
	v1 =	vadd.f32 v3, v1;
	v6 =	vunpack.i.l.bf16.f32 v63;
	(pc) =	sbr.rel @p0 .LBB2_8-.Ltmp5, $3  }
0x1e6: {  	v3 =	vmax.f32 v4, $0.0e+00;
	v4 =	vmax.f32 v5, $0.0e+00;
	v5 =	vunpack.i.u.bf16.f32 v63  }
0x1e7: {  	v0 =	vadd.f32 v0, v2;
	v2 =	vmul.f32 v3, v6;
	v3 =	vmul.f32 v4, v5;
	_ =	sdelay $0x1  }
0x1e8: {  	v4 =	vadd.f32 v2, v1;
	v3 =	vadd.f32 v3, v0  }
0x1e9: {  	_ = 	snop  }
0x1ea: {  	s30 =	sadd.s32 $0x1, s30;
	v0 =	vadd.f32 v3, v4  }
0x1eb: {  	p0 =	sne.s32 s30, s14  }
.Ltmp6:
0x1ec: {  	s0 =	simm.s32 $0x1D700;
	[tilespmem:$0x1D700] =	vst v0;
	(pc) =	sbr.rel @p0 .LBB2_1-.Ltmp6, $4  }
0x1ed: {  	[hbm4b:s13+s7] =	stream.linear.scatter [tilespmem:s0], [sflag:$0x7], $0x10, $0x38;
	[tilespmem:$0x1D780] =	vst v63  }
0x1ee: {  	_ =	swait.ge [sflag:s15], $0x10  }
0x1ef: {  	[sflag:s15] =	ssyncset.done $0x0  }
0x1f0: {  	[sflag:s15] =	ssyncadd.s32 $0xFFFFFFF0  }
0x1f1: {  	_ =	sfence.sel $0x180000  }
0x1f2: {  	[bflag:$0x0] =	sbarrier.arrive $0xFFFF  }
0x1f3: {  	_ =	strace $0x90000047  }
0x1f4: {  	s0 =	stileid.u32;
	[bflag:$0x2] =	sbarrier.arrive $0xFFFF  }
0x1f5: {  	p0 =	sne.s32 s0, $0x0;
	s0 =	rddreg [dreg:$0x5]  }
0x1f6: {  	s0 =	sadd.s32 @!p0 $0x100000, s0  }
0x1f7: {  	[sflag:s0] =	ssyncadd.tile.s32 @!p0 $0x1;
	_ =	shalt  }
.Lfunc_end2:
_tile_overlayer_lowered:
.L_overlay_start_2:
0x1f8: {  	(tag) =	ssettag $0x2  }
0x1f9: {  	s0 =	rddreg [dreg:$0x0];
	s2 =	stileid.u32  }
0x1fa: {  	s1 =	rddreg [dreg:$0x1];
	p0 =	sne.s32 s2, $0x0  }
0x1fb: {  	s3 =	rddreg [dreg:$0x2];
	[bflag:$0x3] =	sbarrier.arrive $0xFFFF;
	s2 =	simm.s32 @!p0 $0x1C07  }
0x1fc: {  	[timem:s3], [sflag:s2] =	dma.local @!p0 [hbm:s0], s1  }
0x1fd: {  	s0 =	simm.s32 @!p0 $0x7  }
0x1fe: {  	_ =	swait.ge @!p0 [sflag:s0], s1  }
0x1ff: {  	s1 =	ssub.s32 @!p0 $0x0, s1;
	[sflag:s0] =	ssyncset.done @!p0 $0x0  }
0x200: {  	[sflag:s0] =	ssyncadd.s32 @!p0 s1  }
0x201: {  	[bflag:$0x3] =	sbarrier.arrive $0xFFFF  }
0x202: {  	_ =	shalt  }

</sc_bundles>
